<compile_context>
chip_gen: v7x
topology: tpu7x:2x2x1
jax: 0.10.2.dev20260603
libtpu: 0.0.44.dev20260713+nightly
codegen_flags: <defaults>
</compile_context>

<pallas_src>
import functools

import jax
import jax.numpy as jnp
from jax.experimental import pallas as pl
from jax.experimental.pallas import tpu as pltpu
from jax.experimental.pallas import tpu_sc as plsc

Q = 1024
D = 16
K = 100000
Z = 8
TILE = 1024
NTILES = (K + TILE - 1) // TILE
NEG_BIG = -2.0e8


def _topk_body(pt_ref, m_ref, out_ref, rv_ref, ri_ref, wk_ref, nid_ref,
               go_ref):
    t = pl.program_id(0)
    mtile = m_ref[...]
    dots = jax.lax.dot_general(
        mtile, pt_ref[...], (((1,), (0,)), ((), ())),
        preferred_element_type=jnp.float32)
    ids = jax.lax.broadcasted_iota(jnp.int32, (TILE, Q), 0) + t * TILE
    wk_ref[...] = jnp.where(ids < K, dots, -jnp.inf)
    go_ref[0] = 1

    @pl.when(t == 0)
    def _():
        nid_ref[...] = -jax.lax.broadcasted_iota(
            jnp.int32, (TILE, Q), 0).astype(jnp.float32)
        rv_ref[...] = jnp.full((Z, Q), -jnp.inf, jnp.float32)
        ri_ref[...] = jnp.full((Z, Q), NEG_BIG, jnp.float32)

    for _ in range(Z):
        @pl.when(go_ref[0] == 1)
        def _():
            wk = wk_ref[...]
            m = jnp.max(wk, axis=0, keepdims=True)
            eq = wk == m
            cand = jnp.where(eq, nid_ref[...], NEG_BIG)
            sl = jnp.max(cand, axis=0, keepdims=True)
            si = sl - jnp.float32(t * TILE)
            wk_ref[...] = jnp.where(eq, -jnp.inf, wk)
            rv = rv_ref[...]
            ri = ri_ref[...]
            nrv, nri = [], []
            gt_prev = None
            for s in range(Z):
                gt = m > rv[s:s + 1]
                if s == 0:
                    nrv.append(jnp.where(gt, m, rv[s:s + 1]))
                    nri.append(jnp.where(gt, si, ri[s:s + 1]))
                else:
                    nrv.append(jnp.where(
                        gt, jnp.where(gt_prev, rv[s - 1:s], m), rv[s:s + 1]))
                    nri.append(jnp.where(
                        gt, jnp.where(gt_prev, ri[s - 1:s], si), ri[s:s + 1]))
                gt_prev = gt
            rv_ref[...] = jnp.concatenate(nrv, axis=0)
            ri_ref[...] = jnp.concatenate(nri, axis=0)
            go_ref[0] = jnp.max(gt_prev.astype(jnp.int32))

    @pl.when(t == NTILES - 1)
    def _():
        gidx = (-ri_ref[...]).astype(jnp.int32)
        out_ref[...] = (gidx[:, :, None] * D
                        + jax.lax.broadcasted_iota(jnp.int32, (Z, Q, D), 2))


def _topk_indices(pt, mem):
    return pl.pallas_call(
        _topk_body,
        grid=(NTILES,),
        in_specs=[
            pl.BlockSpec((D, Q), lambda t: (0, 0)),
            pl.BlockSpec((TILE, D), lambda t: (t, 0)),
        ],
        out_specs=pl.BlockSpec((Z, Q, D), lambda t: (0, 0, 0)),
        out_shape=jax.ShapeDtypeStruct((Z, Q, D), jnp.int32),
        scratch_shapes=[
            pltpu.VMEM((Z, Q), jnp.float32),
            pltpu.VMEM((Z, Q), jnp.float32),
            pltpu.VMEM((TILE, Q), jnp.float32),
            pltpu.VMEM((TILE, Q), jnp.float32),
            pltpu.SMEM((1,), jnp.int32),
        ],
        compiler_params=pltpu.CompilerParams(
            dimension_semantics=("arbitrary",)),
    )(pt, mem)


_SC_CORES = 2
_SC_SUBCORES = 16
_SC_WORKERS = _SC_CORES * _SC_SUBCORES


def _sc_gather(mem_flat, eidx):
    n = Z * Q * D
    per_w = n // _SC_WORKERS
    mesh = plsc.VectorSubcoreMesh(core_axis_name="c", subcore_axis_name="s")

    @functools.partial(
        pl.kernel,
        out_type=jax.ShapeDtypeStruct((n,), jnp.float32),
        mesh=mesh,
        scratch_types=[
            pltpu.VMEM((per_w,), jnp.int32),
            pltpu.VMEM((per_w,), jnp.float32),
            pltpu.SemaphoreType.DMA,
        ],
    )
    def _k(table_hbm, idx_hbm, out_hbm, idx_v, rows_v, sem):
        wid = jax.lax.axis_index("s") * _SC_CORES + jax.lax.axis_index("c")
        base = wid * per_w
        pltpu.sync_copy(idx_hbm.at[pl.ds(base, per_w)], idx_v)
        pltpu.async_copy(table_hbm.at[idx_v], rows_v, sem).wait()
        pltpu.sync_copy(rows_v, out_hbm.at[pl.ds(base, per_w)])

    return _k(mem_flat, eidx)


def _loss_body(g_ref, p_ref, o_ref):
    acc = g_ref[0]
    for z in range(1, Z):
        acc = acc + g_ref[z]
    err = acc * jnp.float32(1.0 / Z) - p_ref[...]
    sq = jnp.sum(err * err, axis=(0, 1), keepdims=True)
    o_ref[...] = sq * jnp.float32(1.0 / (Q * D))


def _mse_loss(g3, p):
    return pl.pallas_call(
        _loss_body,
        in_specs=[
            pl.BlockSpec((Z, Q, D), lambda: (0, 0, 0)),
            pl.BlockSpec((Q, D), lambda: (0, 0)),
        ],
        out_specs=pl.BlockSpec((1, 1), lambda: (0, 0)),
        out_shape=jax.ShapeDtypeStruct((1, 1), jnp.float32),
    )(g3, p)


def kernel(prototypes, memory_points):
    eidx = _topk_indices(prototypes.T, memory_points)
    g = _sc_gather(memory_points.reshape(K * D), eidx.reshape(Z * Q * D))
    loss = _mse_loss(g.reshape(Z, Q, D), prototypes)
    return loss[0, 0]

# --- scband reference (transcript-rebuilt; emitter-appended) ---
"""Pipeline reference for scband-invariance-propagation-loss-86646670229636 (READ-ONLY COPY).

The authoritative reference and input builder live on the scoring server;
editing this copy changes nothing except your own understanding.
"""

import jax, jax.numpy as jnp
import numpy as np

TEMPERATURE = 0.05
Z = 8


def setup_inputs(seed: int = 0) -> dict:
    key = jax.random.key(seed)
    k1, k2 = jax.random.split(key)
    prototypes = jax.random.normal(k1, (1024, 16), dtype=jnp.float32)
    memory_points = jax.random.normal(k2, (100000, 16), dtype=jnp.float32)
    # L2-normalize (memory-bank embeddings are unit-norm in the source repo;
    # keeps exp(dot / 0.05) in float32 range)
    prototypes = prototypes / jnp.linalg.norm(prototypes, axis=1, keepdims=True)
    memory_points = memory_points / jnp.linalg.norm(memory_points, axis=1, keepdims=True)
    return {"prototypes": prototypes, "memory_points": memory_points}


def reference(prototypes, memory_points):
    # memory_bank.get_all_dot_products(prototypes) -> [Q, K]
    dots = prototypes @ memory_points.T
    # self._exp
    pro_sim = jnp.exp(dots / TEMPERATURE)
    # topk(k=self.z, dim=1, largest=True, sorted=True)
    _, bias_indices = jax.lax.top_k(pro_sim, Z)
    # memory_bank.points[bias_indices] -> [Q, Z, d]
    pseudo_tgt = jnp.take(memory_points, bias_indices, axis=0)
    count = pseudo_tgt.shape[1]
    pseudo_pro = pseudo_tgt.sum(axis=1) / count
    # torch.nn.MSELoss() default reduction='mean'
    loss = jnp.mean((pseudo_pro - prototypes) ** 2)
    return loss

if __name__ == "__main__":
    import jax
    _d = setup_inputs()
    print(jax.jit(kernel)(*tuple(_d.values())))

</pallas_src>

<mosaic_0001>
#map = affine_map<(d0, d1) -> (0)>
module attributes {stable_mosaic.version = 14 : i64} {
  func.func @_k(%arg0: i32, %arg1: i32, %arg2: memref<1600000xf32, #tpu.memory_space<hbm>>, %arg3: memref<131072xi32, #tpu.memory_space<hbm>>, %arg4: memref<131072xf32, #tpu.memory_space<hbm>>, %arg5: memref<4096xi32, #tpu.memory_space<vmem>>, %arg6: memref<4096xf32, #tpu.memory_space<vmem>>, %arg7: memref<!tpu.dma_semaphore, #tpu.memory_space<semaphore_mem>>) attributes {dimension_semantics = [#tpu.dimension_semantics<core_parallel>, #tpu.dimension_semantics<subcore_parallel>], iteration_bounds = array<i64: 2, 16>, scalar_prefetch = 0 : i64, scratch_operands = 3 : i64, tpu.core_type = #tpu.core_type<sc_vector_subcore>, window_params = [{transform_indices = #map}, {transform_indices = #map}, {transform_indices = #map}]} {
    %mul3A = arith.constant 2 : i32
    %mul3A_0 = arith.muli %arg1, %mul3A : i32
    %add3A = arith.addi %mul3A_0, %arg0 : i32
    %mul3A_1 = arith.constant 4096 : i32
    %mul3A_2 = arith.muli %add3A, %mul3A_1 : i32
    "tpu.region"() ({
      %run_scoped3A = tpu.sem_alloc : memref<!tpu.dma_semaphore, #tpu.memory_space<semaphore_mem>>
      %dma_start3A_5 = tpu.memref_slice %arg3[%mul3A_2] : memref<131072xi32, #tpu.memory_space<hbm>> -> memref<4096xi32, #tpu.memory_space<hbm>>
      %dma_start3A_6 = tpu.memref_slice %arg3[%mul3A_2] : memref<131072xi32, #tpu.memory_space<hbm>> -> memref<4096xi32, #tpu.memory_space<hbm>>
      tpu.enqueue_dma source(%dma_start3A_6 : memref<4096xi32, #tpu.memory_space<hbm>>) target(%arg5 : memref<4096xi32, #tpu.memory_space<vmem>>) target_semaphore(%run_scoped3A : memref<!tpu.dma_semaphore, #tpu.memory_space<semaphore_mem>>)
      %dma_wait3A_7 = tpu.memref_slice %arg3[%mul3A_2] : memref<131072xi32, #tpu.memory_space<hbm>> -> memref<4096xi32, #tpu.memory_space<hbm>>
      %dma_wait3A_8 = tpu.memref_slice %arg3[%mul3A_2] : memref<131072xi32, #tpu.memory_space<hbm>> -> memref<4096xi32, #tpu.memory_space<hbm>>
      tpu.wait_dma2 semaphore(%run_scoped3A : memref<!tpu.dma_semaphore, #tpu.memory_space<semaphore_mem>>) src(%dma_wait3A_8 : memref<4096xi32, #tpu.memory_space<hbm>>) dst(%arg5 : memref<4096xi32, #tpu.memory_space<vmem>>)
      tpu.yield
    }) : () -> ()
    %dma_start3A = arith.constant 0 : i32
    %dma_start3A_3 = tpu.memref_slice %arg2[%dma_start3A] : memref<1600000xf32, #tpu.memory_space<hbm>> -> memref<1600000xf32, #tpu.memory_space<hbm>>
    tpu.enqueue_indirect_dma source(%dma_start3A_3 : memref<1600000xf32, #tpu.memory_space<hbm>>) target(%arg6 : memref<4096xf32, #tpu.memory_space<vmem>>) offsets(%arg5 : memref<4096xi32, #tpu.memory_space<vmem>>) semaphore(%arg7 : memref<!tpu.dma_semaphore, #tpu.memory_space<semaphore_mem>>)
    %dma_wait3A = arith.constant 0 : i32
    %dma_wait3A_4 = tpu.memref_slice %arg2[%dma_wait3A] : memref<1600000xf32, #tpu.memory_space<hbm>> -> memref<1600000xf32, #tpu.memory_space<hbm>>
    tpu.wait_indirect_dma semaphore(%arg7 : memref<!tpu.dma_semaphore, #tpu.memory_space<semaphore_mem>>) src(%dma_wait3A_4 : memref<1600000xf32, #tpu.memory_space<hbm>>) dst(%arg6 : memref<4096xf32, #tpu.memory_space<vmem>>)
    "tpu.region"() ({
      %run_scoped3A = tpu.sem_alloc : memref<!tpu.dma_semaphore, #tpu.memory_space<semaphore_mem>>
      %dma_start3A_5 = tpu.memref_slice %arg4[%mul3A_2] : memref<131072xf32, #tpu.memory_space<hbm>> -> memref<4096xf32, #tpu.memory_space<hbm>>
      %dma_start3A_6 = tpu.memref_slice %arg4[%mul3A_2] : memref<131072xf32, #tpu.memory_space<hbm>> -> memref<4096xf32, #tpu.memory_space<hbm>>
      tpu.enqueue_dma source(%arg6 : memref<4096xf32, #tpu.memory_space<vmem>>) target(%dma_start3A_6 : memref<4096xf32, #tpu.memory_space<hbm>>) target_semaphore(%run_scoped3A : memref<!tpu.dma_semaphore, #tpu.memory_space<semaphore_mem>>)
      %dma_wait3A_7 = tpu.memref_slice %arg4[%mul3A_2] : memref<131072xf32, #tpu.memory_space<hbm>> -> memref<4096xf32, #tpu.memory_space<hbm>>
      %dma_wait3A_8 = tpu.memref_slice %arg4[%mul3A_2] : memref<131072xf32, #tpu.memory_space<hbm>> -> memref<4096xf32, #tpu.memory_space<hbm>>
      tpu.wait_dma2 semaphore(%run_scoped3A : memref<!tpu.dma_semaphore, #tpu.memory_space<semaphore_mem>>) src(%arg6 : memref<4096xf32, #tpu.memory_space<vmem>>) dst(%dma_wait3A_8 : memref<4096xf32, #tpu.memory_space<hbm>>)
      tpu.yield
    }) : () -> ()
    return
  }
}

module attributes {stable_mosaic.version = 14 : i64} {
  func.func @_topk_body(%arg0: i32, %arg1: memref<16x1024xf32, #tpu.memory_space<vmem>>, %arg2: memref<1024x16xf32, #tpu.memory_space<vmem>>, %arg3: memref<8x1024x16xi32, #tpu.memory_space<vmem>>, %arg4: memref<8x1024xf32, #tpu.memory_space<vmem>>, %arg5: memref<8x1024xf32, #tpu.memory_space<vmem>>, %arg6: memref<1024x1024xf32, #tpu.memory_space<vmem>>, %arg7: memref<1024x1024xf32, #tpu.memory_space<vmem>>, %arg8: memref<1xi32, #tpu.memory_space<smem>>) attributes {dimension_semantics = [#tpu.dimension_semantics<arbitrary>], iteration_bounds = array<i64: 98>, scalar_prefetch = 0 : i64, scratch_operands = 5 : i64, tpu.core_type = #tpu.core_type<tc>, window_params = [{pipeline_mode = #tpu.pipeline_mode<synchronous>, transform_indices = @transform_0, window_bounds = array<i64: 16, 1024>}, {transform_indices = @transform_1, window_bounds = array<i64: 1024, 16>}, {pipeline_mode = #tpu.pipeline_mode<synchronous>, transform_indices = @transform_2, window_bounds = array<i64: 8, 1024, 16>}]} {
    %get3A = arith.constant 0 : index
    %get3A_0 = arith.constant 0 : index
    %get3A_1 = vector.load %arg2[%get3A, %get3A_0] : memref<1024x16xf32, #tpu.memory_space<vmem>>, vector<1024x16xf32>
    %get3A_2 = arith.constant 0 : index
    %get3A_3 = arith.constant 0 : index
    %get3A_4 = vector.load %arg1[%get3A_2, %get3A_3] : memref<16x1024xf32, #tpu.memory_space<vmem>>, vector<16x1024xf32>
    %dot_general3A = arith.constant dense<0.000000e+00> : vector<1024x1024xf32>
    %dot_general3A_5 = tpu.matmul %get3A_1, %get3A_4, %dot_general3A {dimension_numbers = #tpu.dot_dimension_numbers<[1], [0], [0], [1], [0, 0, 1, 1], [], []>, transpose_lhs_hint = false} : vector<1024x16xf32>, vector<16x1024xf32>, vector<1024x1024xf32> -> vector<1024x1024xf32>
    %iota3A = tpu.iota {dimensions = array<i32: 0>} : vector<1024x1024xi32>
    %mul3A = arith.constant 1024 : i32
    %mul3A_6 = arith.muli %arg0, %mul3A : i32
    %add3A = vector.broadcast %mul3A_6 : i32 to vector<1024x1024xi32>
    %add3A_7 = arith.addi %iota3A, %add3A : vector<1024x1024xi32>
    %lt3A = arith.constant 100000 : i32
    %lt3A_8 = vector.broadcast %lt3A : i32 to vector<1024x1024xi32>
    %lt3A_9 = arith.cmpi slt, %add3A_7, %lt3A_8 : vector<1024x1024xi32>
    %jit3A = arith.constant 0xFF800000 : f32
    %broadcast_in_dim3A = vector.broadcast %jit3A : f32 to vector<1024x1024xf32>
    %select_n3A = arith.select %lt3A_9, %dot_general3A_5, %broadcast_in_dim3A : vector<1024x1024xi1>, vector<1024x1024xf32>
    %swap3A = arith.constant 0 : index
    %swap3A_10 = arith.constant 0 : index
    %swap3A_11 = vector.load %arg6[%swap3A, %swap3A_10] : memref<1024x1024xf32, #tpu.memory_space<vmem>>, vector<1024x1024xf32>
    tpu.vector_store %arg6[%swap3A, %swap3A_10], %select_n3A {strides = array<i32>} : memref<1024x1024xf32, #tpu.memory_space<vmem>>, vector<1024x1024xf32>,
    %swap3A_12 = arith.constant 1 : i32
    %swap3A_13 = arith.constant 0 : index
    %swap3A_14 = memref.load %arg8[%swap3A_13] : memref<1xi32, #tpu.memory_space<smem>>
    memref.store %swap3A_12, %arg8[%swap3A_13] : memref<1xi32, #tpu.memory_space<smem>>
    %eq3A = arith.constant 0 : i32
    %eq3A_15 = arith.cmpi eq, %arg0, %eq3A : i32
    %convert_element_type3A = arith.extui %eq3A_15 : i1 to i32
    %cond3A = arith.constant 0 : i32
    %cond3A_16 = arith.cmpi ne, %convert_element_type3A, %cond3A : i32
    scf.if %cond3A_16 {
      %iota3A_78 = tpu.iota {dimensions = array<i32: 0>} : vector<1024x1024xi32>
      %convert_element_type3A_79 = arith.sitofp %iota3A_78 : vector<1024x1024xi32> to vector<1024x1024xf32>
      %neg3A = arith.constant 0.000000e+00 : f32
      %neg3A_80 = vector.broadcast %neg3A : f32 to vector<1024x1024xf32>
      %neg3A_81 = arith.subf %neg3A_80, %convert_element_type3A_79 : vector<1024x1024xf32>
      %swap3A_82 = arith.constant 0 : index
      %swap3A_83 = arith.constant 0 : index
      %swap3A_84 = vector.load %arg7[%swap3A_82, %swap3A_83] : memref<1024x1024xf32, #tpu.memory_space<vmem>>, vector<1024x1024xf32>
      tpu.vector_store %arg7[%swap3A_82, %swap3A_83], %neg3A_81 {strides = array<i32>} : memref<1024x1024xf32, #tpu.memory_space<vmem>>, vector<1024x1024xf32>,
      %broadcast_in_dim3A_85 = arith.constant 0xFF800000 : f32
      %broadcast_in_dim3A_86 = vector.broadcast %broadcast_in_dim3A_85 : f32 to vector<8x1024xf32>
      %swap3A_87 = arith.constant 0 : index
      %swap3A_88 = arith.constant 0 : index
      %swap3A_89 = vector.load %arg4[%swap3A_87, %swap3A_88] : memref<8x1024xf32, #tpu.memory_space<vmem>>, vector<8x1024xf32>
      tpu.vector_store %arg4[%swap3A_87, %swap3A_88], %broadcast_in_dim3A_86 {strides = array<i32>} : memref<8x1024xf32, #tpu.memory_space<vmem>>, vector<8x1024xf32>,
      %broadcast_in_dim3A_90 = arith.constant -2.000000e+08 : f32
      %broadcast_in_dim3A_91 = vector.broadcast %broadcast_in_dim3A_90 : f32 to vector<8x1024xf32>
      %swap3A_92 = arith.constant 0 : index
      %swap3A_93 = arith.constant 0 : index
      %swap3A_94 = vector.load %arg5[%swap3A_92, %swap3A_93] : memref<8x1024xf32, #tpu.memory_space<vmem>>, vector<8x1024xf32>
      tpu.vector_store %arg5[%swap3A_92, %swap3A_93], %broadcast_in_dim3A_91 {strides = array<i32>} : memref<8x1024xf32, #tpu.memory_space<vmem>>, vector<8x1024xf32>,
    } else {
    }
    %get3A_17 = arith.constant 0 : index
    %get3A_18 = memref.load %arg8[%get3A_17] : memref<1xi32, #tpu.memory_space<smem>>
    %eq3A_19 = arith.constant 1 : i32
    %eq3A_20 = arith.cmpi eq, %get3A_18, %eq3A_19 : i32
    %convert_element_type3A_21 = arith.extui %eq3A_20 : i1 to i32
    %cond3A_22 = arith.constant 0 : i32
    %cond3A_23 = arith.cmpi ne, %convert_element_type3A_21, %cond3A_22 : i32
    scf.if %cond3A_23 {
      %get3A_78 = arith.constant 0 : index
      %get3A_79 = arith.constant 0 : index
      %get3A_80 = vector.load %arg6[%get3A_78, %get3A_79] : memref<1024x1024xf32, #tpu.memory_space<vmem>>, vector<1024x1024xf32>
      %reduce_max3A = arith.constant dense<0xFF800000> : vector<1024xf32>
      %reduce_max3A_81 = vector.multi_reduction <maximumf>, %get3A_80, %reduce_max3A [0] : vector<1024x1024xf32> to vector<1024xf32>
      %broadcast_in_dim3A_82 = vector.shape_cast %reduce_max3A_81 : vector<1024xf32> to vector<1x1024xf32>
      %eq3A_83 = vector.broadcast %broadcast_in_dim3A_82 : vector<1x1024xf32> to vector<1024x1024xf32>
      %eq3A_84 = arith.cmpf oeq, %get3A_80, %eq3A_83 : vector<1024x1024xf32>
      %get3A_85 = arith.constant 0 : index
      %get3A_86 = arith.constant 0 : index
      %get3A_87 = vector.load %arg7[%get3A_85, %get3A_86] : memref<1024x1024xf32, #tpu.memory_space<vmem>>, vector<1024x1024xf32>
      %jit3A_88 = arith.constant -2.000000e+08 : f32
      %broadcast_in_dim3A_89 = vector.broadcast %jit3A_88 : f32 to vector<1024x1024xf32>
      %select_n3A_90 = arith.select %eq3A_84, %get3A_87, %broadcast_in_dim3A_89 : vector<1024x1024xi1>, vector<1024x1024xf32>
      %reduce_max3A_91 = arith.constant dense<0xFF800000> : vector<1024xf32>
      %reduce_max3A_92 = vector.multi_reduction <maximumf>, %select_n3A_90, %reduce_max3A_91 [0] : vector<1024x1024xf32> to vector<1024xf32>
      %broadcast_in_dim3A_93 = vector.shape_cast %reduce_max3A_92 : vector<1024xf32> to vector<1x1024xf32>
      %mul3A_94 = arith.constant 1024 : i32
      %mul3A_95 = arith.muli %arg0, %mul3A_94 : i32
      %convert_element_type3A_96 = arith.sitofp %mul3A_95 : i32 to f32
      %sub3A = vector.broadcast %convert_element_type3A_96 : f32 to vector<1x1024xf32>
      %sub3A_97 = arith.subf %broadcast_in_dim3A_93, %sub3A : vector<1x1024xf32>
      %jit3A_98 = arith.constant 0xFF800000 : f32
      %broadcast_in_dim3A_99 = vector.broadcast %jit3A_98 : f32 to vector<1024x1024xf32>
      %select_n3A_100 = arith.select %eq3A_84, %broadcast_in_dim3A_99, %get3A_80 : vector<1024x1024xi1>, vector<1024x1024xf32>
      %swap3A_101 = arith.constant 0 : index
      %swap3A_102 = arith.constant 0 : index
      %swap3A_103 = vector.load %arg6[%swap3A_101, %swap3A_102] : memref<1024x1024xf32, #tpu.memory_space<vmem>>, vector<1024x1024xf32>
      tpu.vector_store %arg6[%swap3A_101, %swap3A_102], %select_n3A_100 {strides = array<i32>} : memref<1024x1024xf32, #tpu.memory_space<vmem>>, vector<1024x1024xf32>,
      %get3A_104 = arith.constant 0 : index
      %get3A_105 = arith.constant 0 : index
      %get3A_106 = vector.load %arg4[%get3A_104, %get3A_105] : memref<8x1024xf32, #tpu.memory_space<vmem>>, vector<8x1024xf32>
      %get3A_107 = arith.constant 0 : index
      %get3A_108 = arith.constant 0 : index
      %get3A_109 = vector.load %arg5[%get3A_107, %get3A_108] : memref<8x1024xf32, #tpu.memory_space<vmem>>, vector<8x1024xf32>
      %slice3A = vector.extract_strided_slice %get3A_106 {offsets = [0, 0], sizes = [1, 1024], strides = [1, 1]} : vector<8x1024xf32> to vector<1x1024xf32>
      %gt3A = arith.cmpf ogt, %broadcast_in_dim3A_82, %slice3A : vector<1x1024xf32>
      %slice3A_110 = vector.extract_strided_slice %get3A_106 {offsets = [0, 0], sizes = [1, 1024], strides = [1, 1]} : vector<8x1024xf32> to vector<1x1024xf32>
      %select_n3A_111 = arith.select %gt3A, %broadcast_in_dim3A_82, %slice3A_110 : vector<1x1024xi1>, vector<1x1024xf32>
      %slice3A_112 = vector.extract_strided_slice %get3A_109 {offsets = [0, 0], sizes = [1, 1024], strides = [1, 1]} : vector<8x1024xf32> to vector<1x1024xf32>
      %select_n3A_113 = arith.select %gt3A, %sub3A_97, %slice3A_112 : vector<1x1024xi1>, vector<1x1024xf32>
      %slice3A_114 = vector.extract_strided_slice %get3A_106 {offsets = [1, 0], sizes = [1, 1024], strides = [1, 1]} : vector<8x1024xf32> to vector<1x1024xf32>
      %gt3A_115 = arith.cmpf ogt, %broadcast_in_dim3A_82, %slice3A_114 : vector<1x1024xf32>
      %slice3A_116 = vector.extract_strided_slice %get3A_106 {offsets = [0, 0], sizes = [1, 1024], strides = [1, 1]} : vector<8x1024xf32> to vector<1x1024xf32>
      %select_n3A_117 = arith.select %gt3A, %slice3A_116, %broadcast_in_dim3A_82 : vector<1x1024xi1>, vector<1x1024xf32>
      %slice3A_118 = vector.extract_strided_slice %get3A_106 {offsets = [1, 0], sizes = [1, 1024], strides = [1, 1]} : vector<8x1024xf32> to vector<1x1024xf32>
      %select_n3A_119 = arith.select %gt3A_115, %select_n3A_117, %slice3A_118 : vector<1x1024xi1>, vector<1x1024xf32>
      %slice3A_120 = vector.extract_strided_slice %get3A_109 {offsets = [0, 0], sizes = [1, 1024], strides = [1, 1]} : vector<8x1024xf32> to vector<1x1024xf32>
      %select_n3A_121 = arith.select %gt3A, %slice3A_120, %sub3A_97 : vector<1x1024xi1>, vector<1x1024xf32>
      %slice3A_122 = vector.extract_strided_slice %get3A_109 {offsets = [1, 0], sizes = [1, 1024], strides = [1, 1]} : vector<8x1024xf32> to vector<1x1024xf32>
      %select_n3A_123 = arith.select %gt3A_115, %select_n3A_121, %slice3A_122 : vector<1x1024xi1>, vector<1x1024xf32>
      %slice3A_124 = vector.extract_strided_slice %get3A_106 {offsets = [2, 0], sizes = [1, 1024], strides = [1, 1]} : vector<8x1024xf32> to vector<1x1024xf32>
      %gt3A_125 = arith.cmpf ogt, %broadcast_in_dim3A_82, %slice3A_124 : vector<1x1024xf32>
      %slice3A_126 = vector.extract_strided_slice %get3A_106 {offsets = [1, 0], sizes = [1, 1024], strides = [1, 1]} : vector<8x1024xf32> to vector<1x1024xf32>
      %select_n3A_127 = arith.select %gt3A_115, %slice3A_126, %broadcast_in_dim3A_82 : vector<1x1024xi1>, vector<1x1024xf32>
      %slice3A_128 = vector.extract_strided_slice %get3A_106 {offsets = [2, 0], sizes = [1, 1024], strides = [1, 1]} : vector<8x1024xf32> to vector<1x1024xf32>
      %select_n3A_129 = arith.select %gt3A_125, %select_n3A_127, %slice3A_128 : vector<1x1024xi1>, vector<1x1024xf32>
      %slice3A_130 = vector.extract_strided_slice %get3A_109 {offsets = [1, 0], sizes = [1, 1024], strides = [1, 1]} : vector<8x1024xf32> to vector<1x1024xf32>
      %select_n3A_131 = arith.select %gt3A_115, %slice3A_130, %sub3A_97 : vector<1x1024xi1>, vector<1x1024xf32>
      %slice3A_132 = vector.extract_strided_slice %get3A_109 {offsets = [2, 0], sizes = [1, 1024], strides = [1, 1]} : vector<8x1024xf32> to vector<1x1024xf32>
      %select_n3A_133 = arith.select %gt3A_125, %select_n3A_131, %slice3A_132 : vector<1x1024xi1>, vector<1x1024xf32>
      %slice3A_134 = vector.extract_strided_slice %get3A_106 {offsets = [3, 0], sizes = [1, 1024], strides = [1, 1]} : vector<8x1024xf32> to vector<1x1024xf32>
      %gt3A_135 = arith.cmpf ogt, %broadcast_in_dim3A_82, %slice3A_134 : vector<1x1024xf32>
      %slice3A_136 = vector.extract_strided_slice %get3A_106 {offsets = [2, 0], sizes = [1, 1024], strides = [1, 1]} : vector<8x1024xf32> to vector<1x1024xf32>
      %select_n3A_137 = arith.select %gt3A_125, %slice3A_136, %broadcast_in_dim3A_82 : vector<1x1024xi1>, vector<1x1024xf32>
      %slice3A_138 = vector.extract_strided_slice %get3A_106 {offsets = [3, 0], sizes = [1, 1024], strides = [1, 1]} : vector<8x1024xf32> to vector<1x1024xf32>
      %select_n3A_139 = arith.select %gt3A_135, %select_n3A_137, %slice3A_138 : vector<1x1024xi1>, vector<1x1024xf32>
      %slice3A_140 = vector.extract_strided_slice %get3A_109 {offsets = [2, 0], sizes = [1, 1024], strides = [1, 1]} : vector<8x1024xf32> to vector<1x1024xf32>
      %select_n3A_141 = arith.select %gt3A_125, %slice3A_140, %sub3A_97 : vector<1x1024xi1>, vector<1x1024xf32>
      %slice3A_142 = vector.extract_strided_slice %get3A_109 {offsets = [3, 0], sizes = [1, 1024], strides = [1, 1]} : vector<8x1024xf32> to vector<1x1024xf32>
      %select_n3A_143 = arith.select %gt3A_135, %select_n3A_141, %slice3A_142 : vector<1x1024xi1>, vector<1x1024xf32>
      %slice3A_144 = vector.extract_strided_slice %get3A_106 {offsets = [4, 0], sizes = [1, 1024], strides = [1, 1]} : vector<8x1024xf32> to vector<1x1024xf32>
      %gt3A_145 = arith.cmpf ogt, %broadcast_in_dim3A_82, %slice3A_144 : vector<1x1024xf32>
      %slice3A_146 = vector.extract_strided_slice %get3A_106 {offsets = [3, 0], sizes = [1, 1024], strides = [1, 1]} : vector<8x1024xf32> to vector<1x1024xf32>
      %select_n3A_147 = arith.select %gt3A_135, %slice3A_146, %broadcast_in_dim3A_82 : vector<1x1024xi1>, vector<1x1024xf32>
      %slice3A_148 = vector.extract_strided_slice %get3A_106 {offsets = [4, 0], sizes = [1, 1024], strides = [1, 1]} : vector<8x1024xf32> to vector<1x1024xf32>
      %select_n3A_149 = arith.select %gt3A_145, %select_n3A_147, %slice3A_148 : vector<1x1024xi1>, vector<1x1024xf32>
      %slice3A_150 = vector.extract_strided_slice %get3A_109 {offsets = [3, 0], sizes = [1, 1024], strides = [1, 1]} : vector<8x1024xf32> to vector<1x1024xf32>
      %select_n3A_151 = arith.select %gt3A_135, %slice3A_150, %sub3A_97 : vector<1x1024xi1>, vector<1x1024xf32>
      %slice3A_152 = vector.extract_strided_slice %get3A_109 {offsets = [4, 0], sizes = [1, 1024], strides = [1, 1]} : vector<8x1024xf32> to vector<1x1024xf32>
      %select_n3A_153 = arith.select %gt3A_145, %select_n3A_151, %slice3A_152 : vector<1x1024xi1>, vector<1x1024xf32>
      %slice3A_154 = vector.extract_strided_slice %get3A_106 {offsets = [5, 0], sizes = [1, 1024], strides = [1, 1]} : vector<8x1024xf32> to vector<1x1024xf32>
      %gt3A_155 = arith.cmpf ogt, %broadcast_in_dim3A_82, %slice3A_154 : vector<1x1024xf32>
      %slice3A_156 = vector.extract_strided_slice %get3A_106 {offsets = [4, 0], sizes = [1, 1024], strides = [1, 1]} : vector<8x1024xf32> to vector<1x1024xf32>
      %select_n3A_157 = arith.select %gt3A_145, %slice3A_156, %broadcast_in_dim3A_82 : vector<1x1024xi1>, vector<1x1024xf32>
      %slice3A_158 = vector.extract_strided_slice %get3A_106 {offsets = [5, 0], sizes = [1, 1024], strides = [1, 1]} : vector<8x1024xf32> to vector<1x1024xf32>
      %select_n3A_159 = arith.select %gt3A_155, %select_n3A_157, %slice3A_158 : vector<1x1024xi1>, vector<1x1024xf32>
      %slice3A_160 = vector.extract_strided_slice %get3A_109 {offsets = [4, 0], sizes = [1, 1024], strides = [1, 1]} : vector<8x1024xf32> to vector<1x1024xf32>
      %select_n3A_161 = arith.select %gt3A_145, %slice3A_160, %sub3A_97 : vector<1x1024xi1>, vector<1x1024xf32>
      %slice3A_162 = vector.extract_strided_slice %get3A_109 {offsets = [5, 0], sizes = [1, 1024], strides = [1, 1]} : vector<8x1024xf32> to vector<1x1024xf32>
      %select_n3A_163 = arith.select %gt3A_155, %select_n3A_161, %slice3A_162 : vector<1x1024xi1>, vector<1x1024xf32>
      %slice3A_164 = vector.extract_strided_slice %get3A_106 {offsets = [6, 0], sizes = [1, 1024], strides = [1, 1]} : vector<8x1024xf32> to vector<1x1024xf32>
      %gt3A_165 = arith.cmpf ogt, %broadcast_in_dim3A_82, %slice3A_164 : vector<1x1024xf32>
      %slice3A_166 = vector.extract_strided_slice %get3A_106 {offsets = [5, 0], sizes = [1, 1024], strides = [1, 1]} : vector<8x1024xf32> to vector<1x1024xf32>
      %select_n3A_167 = arith.select %gt3A_155, %slice3A_166, %broadcast_in_dim3A_82 : vector<1x1024xi1>, vector<1x1024xf32>
      %slice3A_168 = vector.extract_strided_slice %get3A_106 {offsets = [6, 0], sizes = [1, 1024], strides = [1, 1]} : vector<8x1024xf32> to vector<1x1024xf32>
      %select_n3A_169 = arith.select %gt3A_165, %select_n3A_167, %slice3A_168 : vector<1x1024xi1>, vector<1x1024xf32>
      %slice3A_170 = vector.extract_strided_slice %get3A_109 {offsets = [5, 0], sizes = [1, 1024], strides = [1, 1]} : vector<8x1024xf32> to vector<1x1024xf32>
      %select_n3A_171 = arith.select %gt3A_155, %slice3A_170, %sub3A_97 : vector<1x1024xi1>, vector<1x1024xf32>
      %slice3A_172 = vector.extract_strided_slice %get3A_109 {offsets = [6, 0], sizes = [1, 1024], strides = [1, 1]} : vector<8x1024xf32> to vector<1x1024xf32>
      %select_n3A_173 = arith.select %gt3A_165, %select_n3A_171, %slice3A_172 : vector<1x1024xi1>, vector<1x1024xf32>
      %slice3A_174 = vector.extract_strided_slice %get3A_106 {offsets = [7, 0], sizes = [1, 1024], strides = [1, 1]} : vector<8x1024xf32> to vector<1x1024xf32>
      %gt3A_175 = arith.cmpf ogt, %broadcast_in_dim3A_82, %slice3A_174 : vector<1x1024xf32>
      %slice3A_176 = vector.extract_strided_slice %get3A_106 {offsets = [6, 0], sizes = [1, 1024], strides = [1, 1]} : vector<8x1024xf32> to vector<1x1024xf32>
      %select_n3A_177 = arith.select %gt3A_165, %slice3A_176, %broadcast_in_dim3A_82 : vector<1x1024xi1>, vector<1x1024xf32>
      %slice3A_178 = vector.extract_strided_slice %get3A_106 {offsets = [7, 0], sizes = [1, 1024], strides = [1, 1]} : vector<8x1024xf32> to vector<1x1024xf32>
      %select_n3A_179 = arith.select %gt3A_175, %select_n3A_177, %slice3A_178 : vector<1x1024xi1>, vector<1x1024xf32>
      %slice3A_180 = vector.extract_strided_slice %get3A_109 {offsets = [6, 0], sizes = [1, 1024], strides = [1, 1]} : vector<8x1024xf32> to vector<1x1024xf32>
      %select_n3A_181 = arith.select %gt3A_165, %slice3A_180, %sub3A_97 : vector<1x1024xi1>, vector<1x1024xf32>
      %slice3A_182 = vector.extract_strided_slice %get3A_109 {offsets = [7, 0], sizes = [1, 1024], strides = [1, 1]} : vector<8x1024xf32> to vector<1x1024xf32>
      %select_n3A_183 = arith.select %gt3A_175, %select_n3A_181, %slice3A_182 : vector<1x1024xi1>, vector<1x1024xf32>
      %concatenate3A = tpu.concatenate %select_n3A_111, %select_n3A_119, %select_n3A_129, %select_n3A_139, %select_n3A_149, %select_n3A_159, %select_n3A_169, %select_n3A_179 in 0 : vector<1x1024xf32>, vector<1x1024xf32>, vector<1x1024xf32>, vector<1x1024xf32>, vector<1x1024xf32>, vector<1x1024xf32>, vector<1x1024xf32>, vector<1x1024xf32> -> vector<8x1024xf32>
      %swap3A_184 = arith.constant 0 : index
      %swap3A_185 = arith.constant 0 : index
      %swap3A_186 = vector.load %arg4[%swap3A_184, %swap3A_185] : memref<8x1024xf32, #tpu.memory_space<vmem>>, vector<8x1024xf32>
      tpu.vector_store %arg4[%swap3A_184, %swap3A_185], %concatenate3A {strides = array<i32>} : memref<8x1024xf32, #tpu.memory_space<vmem>>, vector<8x1024xf32>,
      %concatenate3A_187 = tpu.concatenate %select_n3A_113, %select_n3A_123, %select_n3A_133, %select_n3A_143, %select_n3A_153, %select_n3A_163, %select_n3A_173, %select_n3A_183 in 0 : vector<1x1024xf32>, vector<1x1024xf32>, vector<1x1024xf32>, vector<1x1024xf32>, vector<1x1024xf32>, vector<1x1024xf32>, vector<1x1024xf32>, vector<1x1024xf32> -> vector<8x1024xf32>
      %swap3A_188 = arith.constant 0 : index
      %swap3A_189 = arith.constant 0 : index
      %swap3A_190 = vector.load %arg5[%swap3A_188, %swap3A_189] : memref<8x1024xf32, #tpu.memory_space<vmem>>, vector<8x1024xf32>
      tpu.vector_store %arg5[%swap3A_188, %swap3A_189], %concatenate3A_187 {strides = array<i32>} : memref<8x1024xf32, #tpu.memory_space<vmem>>, vector<8x1024xf32>,
      %convert_element_type3A_191 = arith.extui %gt3A_175 : vector<1x1024xi1> to vector<1x1024xi32>
      %reduce_max3A_192 = vector.shape_cast %convert_element_type3A_191 : vector<1x1024xi32> to vector<1x1x1024xi32>
      %reduce_max3A_193 = arith.constant dense<-2147483648> : vector<1xi32>
      %reduce_max3A_194 = vector.multi_reduction <maxsi>, %reduce_max3A_192, %reduce_max3A_193 [1, 2] : vector<1x1x1024xi32> to vector<1xi32>
      %reduce_max3A_195 = vector.shape_cast %reduce_max3A_194 : vector<1xi32> to vector<1x1x1xi32>
      %reduce_max3A_196 = vector.extract %reduce_max3A_195[0, 0, 0] : i32 from vector<1x1x1xi32>
      %swap3A_197 = arith.constant 0 : index
      %swap3A_198 = memref.load %arg8[%swap3A_197] : memref<1xi32, #tpu.memory_space<smem>>
      memref.store %reduce_max3A_196, %arg8[%swap3A_197] : memref<1xi32, #tpu.memory_space<smem>>
    } else {
    }
    %get3A_24 = arith.constant 0 : index
    %get3A_25 = memref.load %arg8[%get3A_24] : memref<1xi32, #tpu.memory_space<smem>>
    %eq3A_26 = arith.constant 1 : i32
    %eq3A_27 = arith.cmpi eq, %get3A_25, %eq3A_26 : i32
    %convert_element_type3A_28 = arith.extui %eq3A_27 : i1 to i32
    %cond3A_29 = arith.constant 0 : i32
    %cond3A_30 = arith.cmpi ne, %convert_element_type3A_28, %cond3A_29 : i32
    scf.if %cond3A_30 {
      %get3A_78 = arith.constant 0 : index
      %get3A_79 = arith.constant 0 : index
      %get3A_80 = vector.load %arg6[%get3A_78, %get3A_79] : memref<1024x1024xf32, #tpu.memory_space<vmem>>, vector<1024x1024xf32>
      %reduce_max3A = arith.constant dense<0xFF800000> : vector<1024xf32>
      %reduce_max3A_81 = vector.multi_reduction <maximumf>, %get3A_80, %reduce_max3A [0] : vector<1024x1024xf32> to vector<1024xf32>
      %broadcast_in_dim3A_82 = vector.shape_cast %reduce_max3A_81 : vector<1024xf32> to vector<1x1024xf32>
      %eq3A_83 = vector.broadcast %broadcast_in_dim3A_82 : vector<1x1024xf32> to vector<1024x1024xf32>
      %eq3A_84 = arith.cmpf oeq, %get3A_80, %eq3A_83 : vector<1024x1024xf32>
      %get3A_85 = arith.constant 0 : index
      %get3A_86 = arith.constant 0 : index
      %get3A_87 = vector.load %arg7[%get3A_85, %get3A_86] : memref<1024x1024xf32, #tpu.memory_space<vmem>>, vector<1024x1024xf32>
      %jit3A_88 = arith.constant -2.000000e+08 : f32
      %broadcast_in_dim3A_89 = vector.broadcast %jit3A_88 : f32 to vector<1024x1024xf32>
      %select_n3A_90 = arith.select %eq3A_84, %get3A_87, %broadcast_in_dim3A_89 : vector<1024x1024xi1>, vector<1024x1024xf32>
      %reduce_max3A_91 = arith.constant dense<0xFF800000> : vector<1024xf32>
      %reduce_max3A_92 = vector.multi_reduction <maximumf>, %select_n3A_90, %reduce_max3A_91 [0] : vector<1024x1024xf32> to vector<1024xf32>
      %broadcast_in_dim3A_93 = vector.shape_cast %reduce_max3A_92 : vector<1024xf32> to vector<1x1024xf32>
      %mul3A_94 = arith.constant 1024 : i32
      %mul3A_95 = arith.muli %arg0, %mul3A_94 : i32
      %convert_element_type3A_96 = arith.sitofp %mul3A_95 : i32 to f32
      %sub3A = vector.broadcast %convert_element_type3A_96 : f32 to vector<1x1024xf32>
      %sub3A_97 = arith.subf %broadcast_in_dim3A_93, %sub3A : vector<1x1024xf32>
      %jit3A_98 = arith.constant 0xFF800000 : f32
      %broadcast_in_dim3A_99 = vector.broadcast %jit3A_98 : f32 to vector<1024x1024xf32>
      %select_n3A_100 = arith.select %eq3A_84, %broadcast_in_dim3A_99, %get3A_80 : vector<1024x1024xi1>, vector<1024x1024xf32>
      %swap3A_101 = arith.constant 0 : index
      %swap3A_102 = arith.constant 0 : index
      %swap3A_103 = vector.load %arg6[%swap3A_101, %swap3A_102] : memref<1024x1024xf32, #tpu.memory_space<vmem>>, vector<1024x1024xf32>
      tpu.vector_store %arg6[%swap3A_101, %swap3A_102], %select_n3A_100 {strides = array<i32>} : memref<1024x1024xf32, #tpu.memory_space<vmem>>, vector<1024x1024xf32>,
      %get3A_104 = arith.constant 0 : index
      %get3A_105 = arith.constant 0 : index
      %get3A_106 = vector.load %arg4[%get3A_104, %get3A_105] : memref<8x1024xf32, #tpu.memory_space<vmem>>, vector<8x1024xf32>
      %get3A_107 = arith.constant 0 : index
      %get3A_108 = arith.constant 0 : index
      %get3A_109 = vector.load %arg5[%get3A_107, %get3A_108] : memref<8x1024xf32, #tpu.memory_space<vmem>>, vector<8x1024xf32>
      %slice3A = vector.extract_strided_slice %get3A_106 {offsets = [0, 0], sizes = [1, 1024], strides = [1, 1]} : vector<8x1024xf32> to vector<1x1024xf32>
      %gt3A = arith.cmpf ogt, %broadcast_in_dim3A_82, %slice3A : vector<1x1024xf32>
      %slice3A_110 = vector.extract_strided_slice %get3A_106 {offsets = [0, 0], sizes = [1, 1024], strides = [1, 1]} : vector<8x1024xf32> to vector<1x1024xf32>
      %select_n3A_111 = arith.select %gt3A, %broadcast_in_dim3A_82, %slice3A_110 : vector<1x1024xi1>, vector<1x1024xf32>
      %slice3A_112 = vector.extract_strided_slice %get3A_109 {offsets = [0, 0], sizes = [1, 1024], strides = [1, 1]} : vector<8x1024xf32> to vector<1x1024xf32>
      %select_n3A_113 = arith.select %gt3A, %sub3A_97, %slice3A_112 : vector<1x1024xi1>, vector<1x1024xf32>
      %slice3A_114 = vector.extract_strided_slice %get3A_106 {offsets = [1, 0], sizes = [1, 1024], strides = [1, 1]} : vector<8x1024xf32> to vector<1x1024xf32>
      %gt3A_115 = arith.cmpf ogt, %broadcast_in_dim3A_82, %slice3A_114 : vector<1x1024xf32>
      %slice3A_116 = vector.extract_strided_slice %get3A_106 {offsets = [0, 0], sizes = [1, 1024], strides = [1, 1]} : vector<8x1024xf32> to vector<1x1024xf32>
      %select_n3A_117 = arith.select %gt3A, %slice3A_116, %broadcast_in_dim3A_82 : vector<1x1024xi1>, vector<1x1024xf32>
      %slice3A_118 = vector.extract_strided_slice %get3A_106 {offsets = [1, 0], sizes = [1, 1024], strides = [1, 1]} : vector<8x1024xf32> to vector<1x1024xf32>
      %select_n3A_119 = arith.select %gt3A_115, %select_n3A_117, %slice3A_118 : vector<1x1024xi1>, vector<1x1024xf32>
      %slice3A_120 = vector.extract_strided_slice %get3A_109 {offsets = [0, 0], sizes = [1, 1024], strides = [1, 1]} : vector<8x1024xf32> to vector<1x1024xf32>
      %select_n3A_121 = arith.select %gt3A, %slice3A_120, %sub3A_97 : vector<1x1024xi1>, vector<1x1024xf32>
      %slice3A_122 = vector.extract_strided_slice %get3A_109 {offsets = [1, 0], sizes = [1, 1024], strides = [1, 1]} : vector<8x1024xf32> to vector<1x1024xf32>
      %select_n3A_123 = arith.select %gt3A_115, %select_n3A_121, %slice3A_122 : vector<1x1024xi1>, vector<1x1024xf32>
      %slice3A_124 = vector.extract_strided_slice %get3A_106 {offsets = [2, 0], sizes = [1, 1024], strides = [1, 1]} : vector<8x1024xf32> to vector<1x1024xf32>
      %gt3A_125 = arith.cmpf ogt, %broadcast_in_dim3A_82, %slice3A_124 : vector<1x1024xf32>
      %slice3A_126 = vector.extract_strided_slice %get3A_106 {offsets = [1, 0], sizes = [1, 1024], strides = [1, 1]} : vector<8x1024xf32> to vector<1x1024xf32>
      %select_n3A_127 = arith.select %gt3A_115, %slice3A_126, %broadcast_in_dim3A_82 : vector<1x1024xi1>, vector<1x1024xf32>
      %slice3A_128 = vector.extract_strided_slice %get3A_106 {offsets = [2, 0], sizes = [1, 1024], strides = [1, 1]} : vector<8x1024xf32> to vector<1x1024xf32>
      %select_n3A_129 = arith.select %gt3A_125, %select_n3A_127, %slice3A_128 : vector<1x1024xi1>, vector<1x1024xf32>
      %slice3A_130 = vector.extract_strided_slice %get3A_109 {offsets = [1, 0], sizes = [1, 1024], strides = [1, 1]} : vector<8x1024xf32> to vector<1x1024xf32>
      %select_n3A_131 = arith.select %gt3A_115, %slice3A_130, %sub3A_97 : vector<1x1024xi1>, vector<1x1024xf32>
      %slice3A_132 = vector.extract_strided_slice %get3A_109 {offsets = [2, 0], sizes = [1, 1024], strides = [1, 1]} : vector<8x1024xf32> to vector<1x1024xf32>
      %select_n3A_133 = arith.select %gt3A_125, %select_n3A_131, %slice3A_132 : vector<1x1024xi1>, vector<1x1024xf32>
      %slice3A_134 = vector.extract_strided_slice %get3A_106 {offsets = [3, 0], sizes = [1, 1024], strides = [1, 1]} : vector<8x1024xf32> to vector<1x1024xf32>
      %gt3A_135 = arith.cmpf ogt, %broadcast_in_dim3A_82, %slice3A_134 : vector<1x1024xf32>
      %slice3A_136 = vector.extract_strided_slice %get3A_106 {offsets = [2, 0], sizes = [1, 1024], strides = [1, 1]} : vector<8x1024xf32> to vector<1x1024xf32>
      %select_n3A_137 = arith.select %gt3A_125, %slice3A_136, %broadcast_in_dim3A_82 : vector<1x1024xi1>, vector<1x1024xf32>
      %slice3A_138 = vector.extract_strided_slice %get3A_106 {offsets = [3, 0], sizes = [1, 1024], strides = [1, 1]} : vector<8x1024xf32> to vector<1x1024xf32>
      %select_n3A_139 = arith.select %gt3A_135, %select_n3A_137, %slice3A_138 : vector<1x1024xi1>, vector<1x1024xf32>
      %slice3A_140 = vector.extract_strided_slice %get3A_109 {offsets = [2, 0], sizes = [1, 1024], strides = [1, 1]} : vector<8x1024xf32> to vector<1x1024xf32>
      %select_n3A_141 = arith.select %gt3A_125, %slice3A_140, %sub3A_97 : vector<1x1024xi1>, vector<1x1024xf32>
      %slice3A_142 = vector.extract_strided_slice %get3A_109 {offsets = [3, 0], sizes = [1, 1024], strides = [1, 1]} : vector<8x1024xf32> to vector<1x1024xf32>
      %select_n3A_143 = arith.select %gt3A_135, %select_n3A_141, %slice3A_142 : vector<1x1024xi1>, vector<1x1024xf32>
      %slice3A_144 = vector.extract_strided_slice %get3A_106 {offsets = [4, 0], sizes = [1, 1024], strides = [1, 1]} : vector<8x1024xf32> to vector<1x1024xf32>
      %gt3A_145 = arith.cmpf ogt, %broadcast_in_dim3A_82, %slice3A_144 : vector<1x1024xf32>
      %slice3A_146 = vector.extract_strided_slice %get3A_106 {offsets = [3, 0], sizes = [1, 1024], strides = [1, 1]} : vector<8x1024xf32> to vector<1x1024xf32>
      %select_n3A_147 = arith.select %gt3A_135, %slice3A_146, %broadcast_in_dim3A_82 : vector<1x1024xi1>, vector<1x1024xf32>
      %slice3A_148 = vector.extract_strided_slice %get3A_106 {offsets = [4, 0], sizes = [1, 1024], strides = [1, 1]} : vector<8x1024xf32> to vector<1x1024xf32>
      %select_n3A_149 = arith.select %gt3A_145, %select_n3A_147, %slice3A_148 : vector<1x1024xi1>, vector<1x1024xf32>
      %slice3A_150 = vector.extract_strided_slice %get3A_109 {offsets = [3, 0], sizes = [1, 1024], strides = [1, 1]} : vector<8x1024xf32> to vector<1x1024xf32>
      %select_n3A_151 = arith.select %gt3A_135, %slice3A_150, %sub3A_97 : vector<1x1024xi1>, vector<1x1024xf32>
      %slice3A_152 = vector.extract_strided_slice %get3A_109 {offsets = [4, 0], sizes = [1, 1024], strides = [1, 1]} : vector<8x1024xf32> to vector<1x1024xf32>
      %select_n3A_153 = arith.select %gt3A_145, %select_n3A_151, %slice3A_152 : vector<1x1024xi1>, vector<1x1024xf32>
      %slice3A_154 = vector.extract_strided_slice %get3A_106 {offsets = [5, 0], sizes = [1, 1024], strides = [1, 1]} : vector<8x1024xf32> to vector<1x1024xf32>
      %gt3A_155 = arith.cmpf ogt, %broadcast_in_dim3A_82, %slice3A_154 : vector<1x1024xf32>
      %slice3A_156 = vector.extract_strided_slice %get3A_106 {offsets = [4, 0], sizes = [1, 1024], strides = [1, 1]} : vector<8x1024xf32> to vector<1x1024xf32>
      %select_n3A_157 = arith.select %gt3A_145, %slice3A_156, %broadcast_in_dim3A_82 : vector<1x1024xi1>, vector<1x1024xf32>
      %slice3A_158 = vector.extract_strided_slice %get3A_106 {offsets = [5, 0], sizes = [1, 1024], strides = [1, 1]} : vector<8x1024xf32> to vector<1x1024xf32>
      %select_n3A_159 = arith.select %gt3A_155, %select_n3A_157, %slice3A_158 : vector<1x1024xi1>, vector<1x1024xf32>
      %slice3A_160 = vector.extract_strided_slice %get3A_109 {offsets = [4, 0], sizes = [1, 1024], strides = [1, 1]} : vector<8x1024xf32> to vector<1x1024xf32>
      %select_n3A_161 = arith.select %gt3A_145, %slice3A_160, %sub3A_97 : vector<1x1024xi1>, vector<1x1024xf32>
      %slice3A_162 = vector.extract_strided_slice %get3A_109 {offsets = [5, 0], sizes = [1, 1024], strides = [1, 1]} : vector<8x1024xf32> to vector<1x1024xf32>
      %select_n3A_163 = arith.select %gt3A_155, %select_n3A_161, %slice3A_162 : vector<1x1024xi1>, vector<1x1024xf32>
      %slice3A_164 = vector.extract_strided_slice %get3A_106 {offsets = [6, 0], sizes = [1, 1024], strides = [1, 1]} : vector<8x1024xf32> to vector<1x1024xf32>
      %gt3A_165 = arith.cmpf ogt, %broadcast_in_dim3A_82, %slice3A_164 : vector<1x1024xf32>
      %slice3A_166 = vector.extract_strided_slice %get3A_106 {offsets = [5, 0], sizes = [1, 1024], strides = [1, 1]} : vector<8x1024xf32> to vector<1x1024xf32>
      %select_n3A_167 = arith.select %gt3A_155, %slice3A_166, %broadcast_in_dim3A_82 : vector<1x1024xi1>, vector<1x1024xf32>
      %slice3A_168 = vector.extract_strided_slice %get3A_106 {offsets = [6, 0], sizes = [1, 1024], strides = [1, 1]} : vector<8x1024xf32> to vector<1x1024xf32>
      %select_n3A_169 = arith.select %gt3A_165, %select_n3A_167, %slice3A_168 : vector<1x1024xi1>, vector<1x1024xf32>
      %slice3A_170 = vector.extract_strided_slice %get3A_109 {offsets = [5, 0], sizes = [1, 1024], strides = [1, 1]} : vector<8x1024xf32> to vector<1x1024xf32>
      %select_n3A_171 = arith.select %gt3A_155, %slice3A_170, %sub3A_97 : vector<1x1024xi1>, vector<1x1024xf32>
      %slice3A_172 = vector.extract_strided_slice %get3A_109 {offsets = [6, 0], sizes = [1, 1024], strides = [1, 1]} : vector<8x1024xf32> to vector<1x1024xf32>
      %select_n3A_173 = arith.select %gt3A_165, %select_n3A_171, %slice3A_172 : vector<1x1024xi1>, vector<1x1024xf32>
      %slice3A_174 = vector.extract_strided_slice %get3A_106 {offsets = [7, 0], sizes = [1, 1024], strides = [1, 1]} : vector<8x1024xf32> to vector<1x1024xf32>
      %gt3A_175 = arith.cmpf ogt, %broadcast_in_dim3A_82, %slice3A_174 : vector<1x1024xf32>
      %slice3A_176 = vector.extract_strided_slice %get3A_106 {offsets = [6, 0], sizes = [1, 1024], strides = [1, 1]} : vector<8x1024xf32> to vector<1x1024xf32>
      %select_n3A_177 = arith.select %gt3A_165, %slice3A_176, %broadcast_in_dim3A_82 : vector<1x1024xi1>, vector<1x1024xf32>
      %slice3A_178 = vector.extract_strided_slice %get3A_106 {offsets = [7, 0], sizes = [1, 1024], strides = [1, 1]} : vector<8x1024xf32> to vector<1x1024xf32>
      %select_n3A_179 = arith.select %gt3A_175, %select_n3A_177, %slice3A_178 : vector<1x1024xi1>, vector<1x1024xf32>
      %slice3A_180 = vector.extract_strided_slice %get3A_109 {offsets = [6, 0], sizes = [1, 1024], strides = [1, 1]} : vector<8x1024xf32> to vector<1x1024xf32>
      %select_n3A_181 = arith.select %gt3A_165, %slice3A_180, %sub3A_97 : vector<1x1024xi1>, vector<1x1024xf32>
      %slice3A_182 = vector.extract_strided_slice %get3A_109 {offsets = [7, 0], sizes = [1, 1024], strides = [1, 1]} : vector<8x1024xf32> to vector<1x1024xf32>
      %select_n3A_183 = arith.select %gt3A_175, %select_n3A_181, %slice3A_182 : vector<1x1024xi1>, vector<1x1024xf32>
      %concatenate3A = tpu.concatenate %select_n3A_111, %select_n3A_119, %select_n3A_129, %select_n3A_139, %select_n3A_149, %select_n3A_159, %select_n3A_169, %select_n3A_179 in 0 : vector<1x1024xf32>, vector<1x1024xf32>, vector<1x1024xf32>, vector<1x1024xf32>, vector<1x1024xf32>, vector<1x1024xf32>, vector<1x1024xf32>, vector<1x1024xf32> -> vector<8x1024xf32>
      %swap3A_184 = arith.constant 0 : index
      %swap3A_185 = arith.constant 0 : index
      %swap3A_186 = vector.load %arg4[%swap3A_184, %swap3A_185] : memref<8x1024xf32, #tpu.memory_space<vmem>>, vector<8x1024xf32>
      tpu.vector_store %arg4[%swap3A_184, %swap3A_185], %concatenate3A {strides = array<i32>} : memref<8x1024xf32, #tpu.memory_space<vmem>>, vector<8x1024xf32>,
      %concatenate3A_187 = tpu.concatenate %select_n3A_113, %select_n3A_123, %select_n3A_133, %select_n3A_143, %select_n3A_153, %select_n3A_163, %select_n3A_173, %select_n3A_183 in 0 : vector<1x1024xf32>, vector<1x1024xf32>, vector<1x1024xf32>, vector<1x1024xf32>, vector<1x1024xf32>, vector<1x1024xf32>, vector<1x1024xf32>, vector<1x1024xf32> -> vector<8x1024xf32>
      %swap3A_188 = arith.constant 0 : index
      %swap3A_189 = arith.constant 0 : index
      %swap3A_190 = vector.load %arg5[%swap3A_188, %swap3A_189] : memref<8x1024xf32, #tpu.memory_space<vmem>>, vector<8x1024xf32>
      tpu.vector_store %arg5[%swap3A_188, %swap3A_189], %concatenate3A_187 {strides = array<i32>} : memref<8x1024xf32, #tpu.memory_space<vmem>>, vector<8x1024xf32>,
      %convert_element_type3A_191 = arith.extui %gt3A_175 : vector<1x1024xi1> to vector<1x1024xi32>
      %reduce_max3A_192 = vector.shape_cast %convert_element_type3A_191 : vector<1x1024xi32> to vector<1x1x1024xi32>
      %reduce_max3A_193 = arith.constant dense<-2147483648> : vector<1xi32>
      %reduce_max3A_194 = vector.multi_reduction <maxsi>, %reduce_max3A_192, %reduce_max3A_193 [1, 2] : vector<1x1x1024xi32> to vector<1xi32>
      %reduce_max3A_195 = vector.shape_cast %reduce_max3A_194 : vector<1xi32> to vector<1x1x1xi32>
      %reduce_max3A_196 = vector.extract %reduce_max3A_195[0, 0, 0] : i32 from vector<1x1x1xi32>
      %swap3A_197 = arith.constant 0 : index
      %swap3A_198 = memref.load %arg8[%swap3A_197] : memref<1xi32, #tpu.memory_space<smem>>
      memref.store %reduce_max3A_196, %arg8[%swap3A_197] : memref<1xi32, #tpu.memory_space<smem>>
    } else {
    }
    %get3A_31 = arith.constant 0 : index
    %get3A_32 = memref.load %arg8[%get3A_31] : memref<1xi32, #tpu.memory_space<smem>>
    %eq3A_33 = arith.constant 1 : i32
    %eq3A_34 = arith.cmpi eq, %get3A_32, %eq3A_33 : i32
    %convert_element_type3A_35 = arith.extui %eq3A_34 : i1 to i32
    %cond3A_36 = arith.constant 0 : i32
    %cond3A_37 = arith.cmpi ne, %convert_element_type3A_35, %cond3A_36 : i32
    scf.if %cond3A_37 {
      %get3A_78 = arith.constant 0 : index
      %get3A_79 = arith.constant 0 : index
      %get3A_80 = vector.load %arg6[%get3A_78, %get3A_79] : memref<1024x1024xf32, #tpu.memory_space<vmem>>, vector<1024x1024xf32>
      %reduce_max3A = arith.constant dense<0xFF800000> : vector<1024xf32>
      %reduce_max3A_81 = vector.multi_reduction <maximumf>, %get3A_80, %reduce_max3A [0] : vector<1024x1024xf32> to vector<1024xf32>
      %broadcast_in_dim3A_82 = vector.shape_cast %reduce_max3A_81 : vector<1024xf32> to vector<1x1024xf32>
      %eq3A_83 = vector.broadcast %broadcast_in_dim3A_82 : vector<1x1024xf32> to vector<1024x1024xf32>
      %eq3A_84 = arith.cmpf oeq, %get3A_80, %eq3A_83 : vector<1024x1024xf32>
      %get3A_85 = arith.constant 0 : index
      %get3A_86 = arith.constant 0 : index
      %get3A_87 = vector.load %arg7[%get3A_85, %get3A_86] : memref<1024x1024xf32, #tpu.memory_space<vmem>>, vector<1024x1024xf32>
      %jit3A_88 = arith.constant -2.000000e+08 : f32
      %broadcast_in_dim3A_89 = vector.broadcast %jit3A_88 : f32 to vector<1024x1024xf32>
      %select_n3A_90 = arith.select %eq3A_84, %get3A_87, %broadcast_in_dim3A_89 : vector<1024x1024xi1>, vector<1024x1024xf32>
      %reduce_max3A_91 = arith.constant dense<0xFF800000> : vector<1024xf32>
      %reduce_max3A_92 = vector.multi_reduction <maximumf>, %select_n3A_90, %reduce_max3A_91 [0] : vector<1024x1024xf32> to vector<1024xf32>
      %broadcast_in_dim3A_93 = vector.shape_cast %reduce_max3A_92 : vector<1024xf32> to vector<1x1024xf32>
      %mul3A_94 = arith.constant 1024 : i32
      %mul3A_95 = arith.muli %arg0, %mul3A_94 : i32
      %convert_element_type3A_96 = arith.sitofp %mul3A_95 : i32 to f32
      %sub3A = vector.broadcast %convert_element_type3A_96 : f32 to vector<1x1024xf32>
      %sub3A_97 = arith.subf %broadcast_in_dim3A_93, %sub3A : vector<1x1024xf32>
      %jit3A_98 = arith.constant 0xFF800000 : f32
      %broadcast_in_dim3A_99 = vector.broadcast %jit3A_98 : f32 to vector<1024x1024xf32>
      %select_n3A_100 = arith.select %eq3A_84, %broadcast_in_dim3A_99, %get3A_80 : vector<1024x1024xi1>, vector<1024x1024xf32>
      %swap3A_101 = arith.constant 0 : index
      %swap3A_102 = arith.constant 0 : index
      %swap3A_103 = vector.load %arg6[%swap3A_101, %swap3A_102] : memref<1024x1024xf32, #tpu.memory_space<vmem>>, vector<1024x1024xf32>
      tpu.vector_store %arg6[%swap3A_101, %swap3A_102], %select_n3A_100 {strides = array<i32>} : memref<1024x1024xf32, #tpu.memory_space<vmem>>, vector<1024x1024xf32>,
      %get3A_104 = arith.constant 0 : index
      %get3A_105 = arith.constant 0 : index
      %get3A_106 = vector.load %arg4[%get3A_104, %get3A_105] : memref<8x1024xf32, #tpu.memory_space<vmem>>, vector<8x1024xf32>
      %get3A_107 = arith.constant 0 : index
      %get3A_108 = arith.constant 0 : index
      %get3A_109 = vector.load %arg5[%get3A_107, %get3A_108] : memref<8x1024xf32, #tpu.memory_space<vmem>>, vector<8x1024xf32>
      %slice3A = vector.extract_strided_slice %get3A_106 {offsets = [0, 0], sizes = [1, 1024], strides = [1, 1]} : vector<8x1024xf32> to vector<1x1024xf32>
      %gt3A = arith.cmpf ogt, %broadcast_in_dim3A_82, %slice3A : vector<1x1024xf32>
      %slice3A_110 = vector.extract_strided_slice %get3A_106 {offsets = [0, 0], sizes = [1, 1024], strides = [1, 1]} : vector<8x1024xf32> to vector<1x1024xf32>
      %select_n3A_111 = arith.select %gt3A, %broadcast_in_dim3A_82, %slice3A_110 : vector<1x1024xi1>, vector<1x1024xf32>
      %slice3A_112 = vector.extract_strided_slice %get3A_109 {offsets = [0, 0], sizes = [1, 1024], strides = [1, 1]} : vector<8x1024xf32> to vector<1x1024xf32>
      %select_n3A_113 = arith.select %gt3A, %sub3A_97, %slice3A_112 : vector<1x1024xi1>, vector<1x1024xf32>
      %slice3A_114 = vector.extract_strided_slice %get3A_106 {offsets = [1, 0], sizes = [1, 1024], strides = [1, 1]} : vector<8x1024xf32> to vector<1x1024xf32>
      %gt3A_115 = arith.cmpf ogt, %broadcast_in_dim3A_82, %slice3A_114 : vector<1x1024xf32>
      %slice3A_116 = vector.extract_strided_slice %get3A_106 {offsets = [0, 0], sizes = [1, 1024], strides = [1, 1]} : vector<8x1024xf32> to vector<1x1024xf32>
      %select_n3A_117 = arith.select %gt3A, %slice3A_116, %broadcast_in_dim3A_82 : vector<1x1024xi1>, vector<1x1024xf32>
      %slice3A_118 = vector.extract_strided_slice %get3A_106 {offsets = [1, 0], sizes = [1, 1024], strides = [1, 1]} : vector<8x1024xf32> to vector<1x1024xf32>
      %select_n3A_119 = arith.select %gt3A_115, %select_n3A_117, %slice3A_118 : vector<1x1024xi1>, vector<1x1024xf32>
      %slice3A_120 = vector.extract_strided_slice %get3A_109 {offsets = [0, 0], sizes = [1, 1024], strides = [1, 1]} : vector<8x1024xf32> to vector<1x1024xf32>
      %select_n3A_121 = arith.select %gt3A, %slice3A_120, %sub3A_97 : vector<1x1024xi1>, vector<1x1024xf32>
      %slice3A_122 = vector.extract_strided_slice %get3A_109 {offsets = [1, 0], sizes = [1, 1024], strides = [1, 1]} : vector<8x1024xf32> to vector<1x1024xf32>
      %select_n3A_123 = arith.select %gt3A_115, %select_n3A_121, %slice3A_122 : vector<1x1024xi1>, vector<1x1024xf32>
      %slice3A_124 = vector.extract_strided_slice %get3A_106 {offsets = [2, 0], sizes = [1, 1024], strides = [1, 1]} : vector<8x1024xf32> to vector<1x1024xf32>
      %gt3A_125 = arith.cmpf ogt, %broadcast_in_dim3A_82, %slice3A_124 : vector<1x1024xf32>
      %slice3A_126 = vector.extract_strided_slice %get3A_106 {offsets = [1, 0], sizes = [1, 1024], strides = [1, 1]} : vector<8x1024xf32> to vector<1x1024xf32>
      %select_n3A_127 = arith.select %gt3A_115, %slice3A_126, %broadcast_in_dim3A_82 : vector<1x1024xi1>, vector<1x1024xf32>
      %slice3A_128 = vector.extract_strided_slice %get3A_106 {offsets = [2, 0], sizes = [1, 1024], strides = [1, 1]} : vector<8x1024xf32> to vector<1x1024xf32>
      %select_n3A_129 = arith.select %gt3A_125, %select_n3A_127, %slice3A_128 : vector<1x1024xi1>, vector<1x1024xf32>
      %slice3A_130 = vector.extract_strided_slice %get3A_109 {offsets = [1, 0], sizes = [1, 1024], strides = [1, 1]} : vector<8x1024xf32> to vector<1x1024xf32>
      %select_n3A_131 = arith.select %gt3A_115, %slice3A_130, %sub3A_97 : vector<1x1024xi1>, vector<1x1024xf32>
      %slice3A_132 = vector.extract_strided_slice %get3A_109 {offsets = [2, 0], sizes = [1, 1024], strides = [1, 1]} : vector<8x1024xf32> to vector<1x1024xf32>
      %select_n3A_133 = arith.select %gt3A_125, %select_n3A_131, %slice3A_132 : vector<1x1024xi1>, vector<1x1024xf32>
      %slice3A_134 = vector.extract_strided_slice %get3A_106 {offsets = [3, 0], sizes = [1, 1024], strides = [1, 1]} : vector<8x1024xf32> to vector<1x1024xf32>
      %gt3A_135 = arith.cmpf ogt, %broadcast_in_dim3A_82, %slice3A_134 : vector<1x1024xf32>
      %slice3A_136 = vector.extract_strided_slice %get3A_106 {offsets = [2, 0], sizes = [1, 1024], strides = [1, 1]} : vector<8x1024xf32> to vector<1x1024xf32>
      %select_n3A_137 = arith.select %gt3A_125, %slice3A_136, %broadcast_in_dim3A_82 : vector<1x1024xi1>, vector<1x1024xf32>
      %slice3A_138 = vector.extract_strided_slice %get3A_106 {offsets = [3, 0], sizes = [1, 1024], strides = [1, 1]} : vector<8x1024xf32> to vector<1x1024xf32>
      %select_n3A_139 = arith.select %gt3A_135, %select_n3A_137, %slice3A_138 : vector<1x1024xi1>, vector<1x1024xf32>
      %slice3A_140 = vector.extract_strided_slice %get3A_109 {offsets = [2, 0], sizes = [1, 1024], strides = [1, 1]} : vector<8x1024xf32> to vector<1x1024xf32>
      %select_n3A_141 = arith.select %gt3A_125, %slice3A_140, %sub3A_97 : vector<1x1024xi1>, vector<1x1024xf32>
      %slice3A_142 = vector.extract_strided_slice %get3A_109 {offsets = [3, 0], sizes = [1, 1024], strides = [1, 1]} : vector<8x1024xf32> to vector<1x1024xf32>
      %select_n3A_143 = arith.select %gt3A_135, %select_n3A_141, %slice3A_142 : vector<1x1024xi1>, vector<1x1024xf32>
      %slice3A_144 = vector.extract_strided_slice %get3A_106 {offsets = [4, 0], sizes = [1, 1024], strides = [1, 1]} : vector<8x1024xf32> to vector<1x1024xf32>
      %gt3A_145 = arith.cmpf ogt, %broadcast_in_dim3A_82, %slice3A_144 : vector<1x1024xf32>
      %slice3A_146 = vector.extract_strided_slice %get3A_106 {offsets = [3, 0], sizes = [1, 1024], strides = [1, 1]} : vector<8x1024xf32> to vector<1x1024xf32>
      %select_n3A_147 = arith.select %gt3A_135, %slice3A_146, %broadcast_in_dim3A_82 : vector<1x1024xi1>, vector<1x1024xf32>
      %slice3A_148 = vector.extract_strided_slice %get3A_106 {offsets = [4, 0], sizes = [1, 1024], strides = [1, 1]} : vector<8x1024xf32> to vector<1x1024xf32>
      %select_n3A_149 = arith.select %gt3A_145, %select_n3A_147, %slice3A_148 : vector<1x1024xi1>, vector<1x1024xf32>
      %slice3A_150 = vector.extract_strided_slice %get3A_109 {offsets = [3, 0], sizes = [1, 1024], strides = [1, 1]} : vector<8x1024xf32> to vector<1x1024xf32>
      %select_n3A_151 = arith.select %gt3A_135, %slice3A_150, %sub3A_97 : vector<1x1024xi1>, vector<1x1024xf32>
      %slice3A_152 = vector.extract_strided_slice %get3A_109 {offsets = [4, 0], sizes = [1, 1024], strides = [1, 1]} : vector<8x1024xf32> to vector<1x1024xf32>
      %select_n3A_153 = arith.select %gt3A_145, %select_n3A_151, %slice3A_152 : vector<1x1024xi1>, vector<1x1024xf32>
      %slice3A_154 = vector.extract_strided_slice %get3A_106 {offsets = [5, 0], sizes = [1, 1024], strides = [1, 1]} : vector<8x1024xf32> to vector<1x1024xf32>
      %gt3A_155 = arith.cmpf ogt, %broadcast_in_dim3A_82, %slice3A_154 : vector<1x1024xf32>
      %slice3A_156 = vector.extract_strided_slice %get3A_106 {offsets = [4, 0], sizes = [1, 1024], strides = [1, 1]} : vector<8x1024xf32> to vector<1x1024xf32>
      %select_n3A_157 = arith.select %gt3A_145, %slice3A_156, %broadcast_in_dim3A_82 : vector<1x1024xi1>, vector<1x1024xf32>
      %slice3A_158 = vector.extract_strided_slice %get3A_106 {offsets = [5, 0], sizes = [1, 1024], strides = [1, 1]} : vector<8x1024xf32> to vector<1x1024xf32>
      %select_n3A_159 = arith.select %gt3A_155, %select_n3A_157, %slice3A_158 : vector<1x1024xi1>, vector<1x1024xf32>
      %slice3A_160 = vector.extract_strided_slice %get3A_109 {offsets = [4, 0], sizes = [1, 1024], strides = [1, 1]} : vector<8x1024xf32> to vector<1x1024xf32>
      %select_n3A_161 = arith.select %gt3A_145, %slice3A_160, %sub3A_97 : vector<1x1024xi1>, vector<1x1024xf32>
      %slice3A_162 = vector.extract_strided_slice %get3A_109 {offsets = [5, 0], sizes = [1, 1024], strides = [1, 1]} : vector<8x1024xf32> to vector<1x1024xf32>
      %select_n3A_163 = arith.select %gt3A_155, %select_n3A_161, %slice3A_162 : vector<1x1024xi1>, vector<1x1024xf32>
      %slice3A_164 = vector.extract_strided_slice %get3A_106 {offsets = [6, 0], sizes = [1, 1024], strides = [1, 1]} : vector<8x1024xf32> to vector<1x1024xf32>
      %gt3A_165 = arith.cmpf ogt, %broadcast_in_dim3A_82, %slice3A_164 : vector<1x1024xf32>
      %slice3A_166 = vector.extract_strided_slice %get3A_106 {offsets = [5, 0], sizes = [1, 1024], strides = [1, 1]} : vector<8x1024xf32> to vector<1x1024xf32>
      %select_n3A_167 = arith.select %gt3A_155, %slice3A_166, %broadcast_in_dim3A_82 : vector<1x1024xi1>, vector<1x1024xf32>
      %slice3A_168 = vector.extract_strided_slice %get3A_106 {offsets = [6, 0], sizes = [1, 1024], strides = [1, 1]} : vector<8x1024xf32> to vector<1x1024xf32>
      %select_n3A_169 = arith.select %gt3A_165, %select_n3A_167, %slice3A_168 : vector<1x1024xi1>, vector<1x1024xf32>
      %slice3A_170 = vector.extract_strided_slice %get3A_109 {offsets = [5, 0], sizes = [1, 1024], strides = [1, 1]} : vector<8x1024xf32> to vector<1x1024xf32>
      %select_n3A_171 = arith.select %gt3A_155, %slice3A_170, %sub3A_97 : vector<1x1024xi1>, vector<1x1024xf32>
      %slice3A_172 = vector.extract_strided_slice %get3A_109 {offsets = [6, 0], sizes = [1, 1024], strides = [1, 1]} : vector<8x1024xf32> to vector<1x1024xf32>
      %select_n3A_173 = arith.select %gt3A_165, %select_n3A_171, %slice3A_172 : vector<1x1024xi1>, vector<1x1024xf32>
      %slice3A_174 = vector.extract_strided_slice %get3A_106 {offsets = [7, 0], sizes = [1, 1024], strides = [1, 1]} : vector<8x1024xf32> to vector<1x1024xf32>
      %gt3A_175 = arith.cmpf ogt, %broadcast_in_dim3A_82, %slice3A_174 : vector<1x1024xf32>
      %slice3A_176 = vector.extract_strided_slice %get3A_106 {offsets = [6, 0], sizes = [1, 1024], strides = [1, 1]} : vector<8x1024xf32> to vector<1x1024xf32>
      %select_n3A_177 = arith.select %gt3A_165, %slice3A_176, %broadcast_in_dim3A_82 : vector<1x1024xi1>, vector<1x1024xf32>
      %slice3A_178 = vector.extract_strided_slice %get3A_106 {offsets = [7, 0], sizes = [1, 1024], strides = [1, 1]} : vector<8x1024xf32> to vector<1x1024xf32>
      %select_n3A_179 = arith.select %gt3A_175, %select_n3A_177, %slice3A_178 : vector<1x1024xi1>, vector<1x1024xf32>
      %slice3A_180 = vector.extract_strided_slice %get3A_109 {offsets = [6, 0], sizes = [1, 1024], strides = [1, 1]} : vector<8x1024xf32> to vector<1x1024xf32>
      %select_n3A_181 = arith.select %gt3A_165, %slice3A_180, %sub3A_97 : vector<1x1024xi1>, vector<1x1024xf32>
      %slice3A_182 = vector.extract_strided_slice %get3A_109 {offsets = [7, 0], sizes = [1, 1024], strides = [1, 1]} : vector<8x1024xf32> to vector<1x1024xf32>
      %select_n3A_183 = arith.select %gt3A_175, %select_n3A_181, %slice3A_182 : vector<1x1024xi1>, vector<1x1024xf32>
      %concatenate3A = tpu.concatenate %select_n3A_111, %select_n3A_119, %select_n3A_129, %select_n3A_139, %select_n3A_149, %select_n3A_159, %select_n3A_169, %select_n3A_179 in 0 : vector<1x1024xf32>, vector<1x1024xf32>, vector<1x1024xf32>, vector<1x1024xf32>, vector<1x1024xf32>, vector<1x1024xf32>, vector<1x1024xf32>, vector<1x1024xf32> -> vector<8x1024xf32>
      %swap3A_184 = arith.constant 0 : index
      %swap3A_185 = arith.constant 0 : index
      %swap3A_186 = vector.load %arg4[%swap3A_184, %swap3A_185] : memref<8x1024xf32, #tpu.memory_space<vmem>>, vector<8x1024xf32>
      tpu.vector_store %arg4[%swap3A_184, %swap3A_185], %concatenate3A {strides = array<i32>} : memref<8x1024xf32, #tpu.memory_space<vmem>>, vector<8x1024xf32>,
      %concatenate3A_187 = tpu.concatenate %select_n3A_113, %select_n3A_123, %select_n3A_133, %select_n3A_143, %select_n3A_153, %select_n3A_163, %select_n3A_173, %select_n3A_183 in 0 : vector<1x1024xf32>, vector<1x1024xf32>, vector<1x1024xf32>, vector<1x1024xf32>, vector<1x1024xf32>, vector<1x1024xf32>, vector<1x1024xf32>, vector<1x1024xf32> -> vector<8x1024xf32>
      %swap3A_188 = arith.constant 0 : index
      %swap3A_189 = arith.constant 0 : index
      %swap3A_190 = vector.load %arg5[%swap3A_188, %swap3A_189] : memref<8x1024xf32, #tpu.memory_space<vmem>>, vector<8x1024xf32>
      tpu.vector_store %arg5[%swap3A_188, %swap3A_189], %concatenate3A_187 {strides = array<i32>} : memref<8x1024xf32, #tpu.memory_space<vmem>>, vector<8x1024xf32>,
      %convert_element_type3A_191 = arith.extui %gt3A_175 : vector<1x1024xi1> to vector<1x1024xi32>
      %reduce_max3A_192 = vector.shape_cast %convert_element_type3A_191 : vector<1x1024xi32> to vector<1x1x1024xi32>
      %reduce_max3A_193 = arith.constant dense<-2147483648> : vector<1xi32>
      %reduce_max3A_194 = vector.multi_reduction <maxsi>, %reduce_max3A_192, %reduce_max3A_193 [1, 2] : vector<1x1x1024xi32> to vector<1xi32>
      %reduce_max3A_195 = vector.shape_cast %reduce_max3A_194 : vector<1xi32> to vector<1x1x1xi32>
      %reduce_max3A_196 = vector.extract %reduce_max3A_195[0, 0, 0] : i32 from vector<1x1x1xi32>
      %swap3A_197 = arith.constant 0 : index
      %swap3A_198 = memref.load %arg8[%swap3A_197] : memref<1xi32, #tpu.memory_space<smem>>
      memref.store %reduce_max3A_196, %arg8[%swap3A_197] : memref<1xi32, #tpu.memory_space<smem>>
    } else {
    }
    %get3A_38 = arith.constant 0 : index
    %get3A_39 = memref.load %arg8[%get3A_38] : memref<1xi32, #tpu.memory_space<smem>>
    %eq3A_40 = arith.constant 1 : i32
    %eq3A_41 = arith.cmpi eq, %get3A_39, %eq3A_40 : i32
    %convert_element_type3A_42 = arith.extui %eq3A_41 : i1 to i32
    %cond3A_43 = arith.constant 0 : i32
    %cond3A_44 = arith.cmpi ne, %convert_element_type3A_42, %cond3A_43 : i32
    scf.if %cond3A_44 {
      %get3A_78 = arith.constant 0 : index
      %get3A_79 = arith.constant 0 : index
      %get3A_80 = vector.load %arg6[%get3A_78, %get3A_79] : memref<1024x1024xf32, #tpu.memory_space<vmem>>, vector<1024x1024xf32>
      %reduce_max3A = arith.constant dense<0xFF800000> : vector<1024xf32>
      %reduce_max3A_81 = vector.multi_reduction <maximumf>, %get3A_80, %reduce_max3A [0] : vector<1024x1024xf32> to vector<1024xf32>
      %broadcast_in_dim3A_82 = vector.shape_cast %reduce_max3A_81 : vector<1024xf32> to vector<1x1024xf32>
      %eq3A_83 = vector.broadcast %broadcast_in_dim3A_82 : vector<1x1024xf32> to vector<1024x1024xf32>
      %eq3A_84 = arith.cmpf oeq, %get3A_80, %eq3A_83 : vector<1024x1024xf32>
      %get3A_85 = arith.constant 0 : index
      %get3A_86 = arith.constant 0 : index
      %get3A_87 = vector.load %arg7[%get3A_85, %get3A_86] : memref<1024x1024xf32, #tpu.memory_space<vmem>>, vector<1024x1024xf32>
      %jit3A_88 = arith.constant -2.000000e+08 : f32
      %broadcast_in_dim3A_89 = vector.broadcast %jit3A_88 : f32 to vector<1024x1024xf32>
      %select_n3A_90 = arith.select %eq3A_84, %get3A_87, %broadcast_in_dim3A_89 : vector<1024x1024xi1>, vector<1024x1024xf32>
      %reduce_max3A_91 = arith.constant dense<0xFF800000> : vector<1024xf32>
      %reduce_max3A_92 = vector.multi_reduction <maximumf>, %select_n3A_90, %reduce_max3A_91 [0] : vector<1024x1024xf32> to vector<1024xf32>
      %broadcast_in_dim3A_93 = vector.shape_cast %reduce_max3A_92 : vector<1024xf32> to vector<1x1024xf32>
      %mul3A_94 = arith.constant 1024 : i32
      %mul3A_95 = arith.muli %arg0, %mul3A_94 : i32
      %convert_element_type3A_96 = arith.sitofp %mul3A_95 : i32 to f32
      %sub3A = vector.broadcast %convert_element_type3A_96 : f32 to vector<1x1024xf32>
      %sub3A_97 = arith.subf %broadcast_in_dim3A_93, %sub3A : vector<1x1024xf32>
      %jit3A_98 = arith.constant 0xFF800000 : f32
      %broadcast_in_dim3A_99 = vector.broadcast %jit3A_98 : f32 to vector<1024x1024xf32>
      %select_n3A_100 = arith.select %eq3A_84, %broadcast_in_dim3A_99, %get3A_80 : vector<1024x1024xi1>, vector<1024x1024xf32>
      %swap3A_101 = arith.constant 0 : index
      %swap3A_102 = arith.constant 0 : index
      %swap3A_103 = vector.load %arg6[%swap3A_101, %swap3A_102] : memref<1024x1024xf32, #tpu.memory_space<vmem>>, vector<1024x1024xf32>
      tpu.vector_store %arg6[%swap3A_101, %swap3A_102], %select_n3A_100 {strides = array<i32>} : memref<1024x1024xf32, #tpu.memory_space<vmem>>, vector<1024x1024xf32>,
      %get3A_104 = arith.constant 0 : index
      %get3A_105 = arith.constant 0 : index
      %get3A_106 = vector.load %arg4[%get3A_104, %get3A_105] : memref<8x1024xf32, #tpu.memory_space<vmem>>, vector<8x1024xf32>
      %get3A_107 = arith.constant 0 : index
      %get3A_108 = arith.constant 0 : index
      %get3A_109 = vector.load %arg5[%get3A_107, %get3A_108] : memref<8x1024xf32, #tpu.memory_space<vmem>>, vector<8x1024xf32>
      %slice3A = vector.extract_strided_slice %get3A_106 {offsets = [0, 0], sizes = [1, 1024], strides = [1, 1]} : vector<8x1024xf32> to vector<1x1024xf32>
      %gt3A = arith.cmpf ogt, %broadcast_in_dim3A_82, %slice3A : vector<1x1024xf32>
      %slice3A_110 = vector.extract_strided_slice %get3A_106 {offsets = [0, 0], sizes = [1, 1024], strides = [1, 1]} : vector<8x1024xf32> to vector<1x1024xf32>
      %select_n3A_111 = arith.select %gt3A, %broadcast_in_dim3A_82, %slice3A_110 : vector<1x1024xi1>, vector<1x1024xf32>
      %slice3A_112 = vector.extract_strided_slice %get3A_109 {offsets = [0, 0], sizes = [1, 1024], strides = [1, 1]} : vector<8x1024xf32> to vector<1x1024xf32>
      %select_n3A_113 = arith.select %gt3A, %sub3A_97, %slice3A_112 : vector<1x1024xi1>, vector<1x1024xf32>
      %slice3A_114 = vector.extract_strided_slice %get3A_106 {offsets = [1, 0], sizes = [1, 1024], strides = [1, 1]} : vector<8x1024xf32> to vector<1x1024xf32>
      %gt3A_115 = arith.cmpf ogt, %broadcast_in_dim3A_82, %slice3A_114 : vector<1x1024xf32>
      %slice3A_116 = vector.extract_strided_slice %get3A_106 {offsets = [0, 0], sizes = [1, 1024], strides = [1, 1]} : vector<8x1024xf32> to vector<1x1024xf32>
      %select_n3A_117 = arith.select %gt3A, %slice3A_116, %broadcast_in_dim3A_82 : vector<1x1024xi1>, vector<1x1024xf32>
      %slice3A_118 = vector.extract_strided_slice %get3A_106 {offsets = [1, 0], sizes = [1, 1024], strides = [1, 1]} : vector<8x1024xf32> to vector<1x1024xf32>
      %select_n3A_119 = arith.select %gt3A_115, %select_n3A_117, %slice3A_118 : vector<1x1024xi1>, vector<1x1024xf32>
      %slice3A_120 = vector.extract_strided_slice %get3A_109 {offsets = [0, 0], sizes = [1, 1024], strides = [1, 1]} : vector<8x1024xf32> to vector<1x1024xf32>
      %select_n3A_121 = arith.select %gt3A, %slice3A_120, %sub3A_97 : vector<1x1024xi1>, vector<1x1024xf32>
      %slice3A_122 = vector.extract_strided_slice %get3A_109 {offsets = [1, 0], sizes = [1, 1024], strides = [1, 1]} : vector<8x1024xf32> to vector<1x1024xf32>
      %select_n3A_123 = arith.select %gt3A_115, %select_n3A_121, %slice3A_122 : vector<1x1024xi1>, vector<1x1024xf32>
      %slice3A_124 = vector.extract_strided_slice %get3A_106 {offsets = [2, 0], sizes = [1, 1024], strides = [1, 1]} : vector<8x1024xf32> to vector<1x1024xf32>
      %gt3A_125 = arith.cmpf ogt, %broadcast_in_dim3A_82, %slice3A_124 : vector<1x1024xf32>
      %slice3A_126 = vector.extract_strided_slice %get3A_106 {offsets = [1, 0], sizes = [1, 1024], strides = [1, 1]} : vector<8x1024xf32> to vector<1x1024xf32>
      %select_n3A_127 = arith.select %gt3A_115, %slice3A_126, %broadcast_in_dim3A_82 : vector<1x1024xi1>, vector<1x1024xf32>
      %slice3A_128 = vector.extract_strided_slice %get3A_106 {offsets = [2, 0], sizes = [1, 1024], strides = [1, 1]} : vector<8x1024xf32> to vector<1x1024xf32>
      %select_n3A_129 = arith.select %gt3A_125, %select_n3A_127, %slice3A_128 : vector<1x1024xi1>, vector<1x1024xf32>
      %slice3A_130 = vector.extract_strided_slice %get3A_109 {offsets = [1, 0], sizes = [1, 1024], strides = [1, 1]} : vector<8x1024xf32> to vector<1x1024xf32>
      %select_n3A_131 = arith.select %gt3A_115, %slice3A_130, %sub3A_97 : vector<1x1024xi1>, vector<1x1024xf32>
      %slice3A_132 = vector.extract_strided_slice %get3A_109 {offsets = [2, 0], sizes = [1, 1024], strides = [1, 1]} : vector<8x1024xf32> to vector<1x1024xf32>
      %select_n3A_133 = arith.select %gt3A_125, %select_n3A_131, %slice3A_132 : vector<1x1024xi1>, vector<1x1024xf32>
      %slice3A_134 = vector.extract_strided_slice %get3A_106 {offsets = [3, 0], sizes = [1, 1024], strides = [1, 1]} : vector<8x1024xf32> to vector<1x1024xf32>
      %gt3A_135 = arith.cmpf ogt, %broadcast_in_dim3A_82, %slice3A_134 : vector<1x1024xf32>
      %slice3A_136 = vector.extract_strided_slice %get3A_106 {offsets = [2, 0], sizes = [1, 1024], strides = [1, 1]} : vector<8x1024xf32> to vector<1x1024xf32>
      %select_n3A_137 = arith.select %gt3A_125, %slice3A_136, %broadcast_in_dim3A_82 : vector<1x1024xi1>, vector<1x1024xf32>
      %slice3A_138 = vector.extract_strided_slice %get3A_106 {offsets = [3, 0], sizes = [1, 1024], strides = [1, 1]} : vector<8x1024xf32> to vector<1x1024xf32>
      %select_n3A_139 = arith.select %gt3A_135, %select_n3A_137, %slice3A_138 : vector<1x1024xi1>, vector<1x1024xf32>
      %slice3A_140 = vector.extract_strided_slice %get3A_109 {offsets = [2, 0], sizes = [1, 1024], strides = [1, 1]} : vector<8x1024xf32> to vector<1x1024xf32>
      %select_n3A_141 = arith.select %gt3A_125, %slice3A_140, %sub3A_97 : vector<1x1024xi1>, vector<1x1024xf32>
      %slice3A_142 = vector.extract_strided_slice %get3A_109 {offsets = [3, 0], sizes = [1, 1024], strides = [1, 1]} : vector<8x1024xf32> to vector<1x1024xf32>
      %select_n3A_143 = arith.select %gt3A_135, %select_n3A_141, %slice3A_142 : vector<1x1024xi1>, vector<1x1024xf32>
      %slice3A_144 = vector.extract_strided_slice %get3A_106 {offsets = [4, 0], sizes = [1, 1024], strides = [1, 1]} : vector<8x1024xf32> to vector<1x1024xf32>
      %gt3A_145 = arith.cmpf ogt, %broadcast_in_dim3A_82, %slice3A_144 : vector<1x1024xf32>
      %slice3A_146 = vector.extract_strided_slice %get3A_106 {offsets = [3, 0], sizes = [1, 1024], strides = [1, 1]} : vector<8x1024xf32> to vector<1x1024xf32>
      %select_n3A_147 = arith.select %gt3A_135, %slice3A_146, %broadcast_in_dim3A_82 : vector<1x1024xi1>, vector<1x1024xf32>
      %slice3A_148 = vector.extract_strided_slice %get3A_106 {offsets = [4, 0], sizes = [1, 1024], strides = [1, 1]} : vector<8x1024xf32> to vector<1x1024xf32>
      %select_n3A_149 = arith.select %gt3A_145, %select_n3A_147, %slice3A_148 : vector<1x1024xi1>, vector<1x1024xf32>
      %slice3A_150 = vector.extract_strided_slice %get3A_109 {offsets = [3, 0], sizes = [1, 1024], strides = [1, 1]} : vector<8x1024xf32> to vector<1x1024xf32>
      %select_n3A_151 = arith.select %gt3A_135, %slice3A_150, %sub3A_97 : vector<1x1024xi1>, vector<1x1024xf32>
      %slice3A_152 = vector.extract_strided_slice %get3A_109 {offsets = [4, 0], sizes = [1, 1024], strides = [1, 1]} : vector<8x1024xf32> to vector<1x1024xf32>
      %select_n3A_153 = arith.select %gt3A_145, %select_n3A_151, %slice3A_152 : vector<1x1024xi1>, vector<1x1024xf32>
      %slice3A_154 = vector.extract_strided_slice %get3A_106 {offsets = [5, 0], sizes = [1, 1024], strides = [1, 1]} : vector<8x1024xf32> to vector<1x1024xf32>
      %gt3A_155 = arith.cmpf ogt, %broadcast_in_dim3A_82, %slice3A_154 : vector<1x1024xf32>
      %slice3A_156 = vector.extract_strided_slice %get3A_106 {offsets = [4, 0], sizes = [1, 1024], strides = [1, 1]} : vector<8x1024xf32> to vector<1x1024xf32>
      %select_n3A_157 = arith.select %gt3A_145, %slice3A_156, %broadcast_in_dim3A_82 : vector<1x1024xi1>, vector<1x1024xf32>
      %slice3A_158 = vector.extract_strided_slice %get3A_106 {offsets = [5, 0], sizes = [1, 1024], strides = [1, 1]} : vector<8x1024xf32> to vector<1x1024xf32>
      %select_n3A_159 = arith.select %gt3A_155, %select_n3A_157, %slice3A_158 : vector<1x1024xi1>, vector<1x1024xf32>
      %slice3A_160 = vector.extract_strided_slice %get3A_109 {offsets = [4, 0], sizes = [1, 1024], strides = [1, 1]} : vector<8x1024xf32> to vector<1x1024xf32>
      %select_n3A_161 = arith.select %gt3A_145, %slice3A_160, %sub3A_97 : vector<1x1024xi1>, vector<1x1024xf32>
      %slice3A_162 = vector.extract_strided_slice %get3A_109 {offsets = [5, 0], sizes = [1, 1024], strides = [1, 1]} : vector<8x1024xf32> to vector<1x1024xf32>
      %select_n3A_163 = arith.select %gt3A_155, %select_n3A_161, %slice3A_162 : vector<1x1024xi1>, vector<1x1024xf32>
      %slice3A_164 = vector.extract_strided_slice %get3A_106 {offsets = [6, 0], sizes = [1, 1024], strides = [1, 1]} : vector<8x1024xf32> to vector<1x1024xf32>
      %gt3A_165 = arith.cmpf ogt, %broadcast_in_dim3A_82, %slice3A_164 : vector<1x1024xf32>
      %slice3A_166 = vector.extract_strided_slice %get3A_106 {offsets = [5, 0], sizes = [1, 1024], strides = [1, 1]} : vector<8x1024xf32> to vector<1x1024xf32>
      %select_n3A_167 = arith.select %gt3A_155, %slice3A_166, %broadcast_in_dim3A_82 : vector<1x1024xi1>, vector<1x1024xf32>
      %slice3A_168 = vector.extract_strided_slice %get3A_106 {offsets = [6, 0], sizes = [1, 1024], strides = [1, 1]} : vector<8x1024xf32> to vector<1x1024xf32>
      %select_n3A_169 = arith.select %gt3A_165, %select_n3A_167, %slice3A_168 : vector<1x1024xi1>, vector<1x1024xf32>
      %slice3A_170 = vector.extract_strided_slice %get3A_109 {offsets = [5, 0], sizes = [1, 1024], strides = [1, 1]} : vector<8x1024xf32> to vector<1x1024xf32>
      %select_n3A_171 = arith.select %gt3A_155, %slice3A_170, %sub3A_97 : vector<1x1024xi1>, vector<1x1024xf32>
      %slice3A_172 = vector.extract_strided_slice %get3A_109 {offsets = [6, 0], sizes = [1, 1024], strides = [1, 1]} : vector<8x1024xf32> to vector<1x1024xf32>
      %select_n3A_173 = arith.select %gt3A_165, %select_n3A_171, %slice3A_172 : vector<1x1024xi1>, vector<1x1024xf32>
      %slice3A_174 = vector.extract_strided_slice %get3A_106 {offsets = [7, 0], sizes = [1, 1024], strides = [1, 1]} : vector<8x1024xf32> to vector<1x1024xf32>
      %gt3A_175 = arith.cmpf ogt, %broadcast_in_dim3A_82, %slice3A_174 : vector<1x1024xf32>
      %slice3A_176 = vector.extract_strided_slice %get3A_106 {offsets = [6, 0], sizes = [1, 1024], strides = [1, 1]} : vector<8x1024xf32> to vector<1x1024xf32>
      %select_n3A_177 = arith.select %gt3A_165, %slice3A_176, %broadcast_in_dim3A_82 : vector<1x1024xi1>, vector<1x1024xf32>
      %slice3A_178 = vector.extract_strided_slice %get3A_106 {offsets = [7, 0], sizes = [1, 1024], strides = [1, 1]} : vector<8x1024xf32> to vector<1x1024xf32>
      %select_n3A_179 = arith.select %gt3A_175, %select_n3A_177, %slice3A_178 : vector<1x1024xi1>, vector<1x1024xf32>
      %slice3A_180 = vector.extract_strided_slice %get3A_109 {offsets = [6, 0], sizes = [1, 1024], strides = [1, 1]} : vector<8x1024xf32> to vector<1x1024xf32>
      %select_n3A_181 = arith.select %gt3A_165, %slice3A_180, %sub3A_97 : vector<1x1024xi1>, vector<1x1024xf32>
      %slice3A_182 = vector.extract_strided_slice %get3A_109 {offsets = [7, 0], sizes = [1, 1024], strides = [1, 1]} : vector<8x1024xf32> to vector<1x1024xf32>
      %select_n3A_183 = arith.select %gt3A_175, %select_n3A_181, %slice3A_182 : vector<1x1024xi1>, vector<1x1024xf32>
      %concatenate3A = tpu.concatenate %select_n3A_111, %select_n3A_119, %select_n3A_129, %select_n3A_139, %select_n3A_149, %select_n3A_159, %select_n3A_169, %select_n3A_179 in 0 : vector<1x1024xf32>, vector<1x1024xf32>, vector<1x1024xf32>, vector<1x1024xf32>, vector<1x1024xf32>, vector<1x1024xf32>, vector<1x1024xf32>, vector<1x1024xf32> -> vector<8x1024xf32>
      %swap3A_184 = arith.constant 0 : index
      %swap3A_185 = arith.constant 0 : index
      %swap3A_186 = vector.load %arg4[%swap3A_184, %swap3A_185] : memref<8x1024xf32, #tpu.memory_space<vmem>>, vector<8x1024xf32>
      tpu.vector_store %arg4[%swap3A_184, %swap3A_185], %concatenate3A {strides = array<i32>} : memref<8x1024xf32, #tpu.memory_space<vmem>>, vector<8x1024xf32>,
      %concatenate3A_187 = tpu.concatenate %select_n3A_113, %select_n3A_123, %select_n3A_133, %select_n3A_143, %select_n3A_153, %select_n3A_163, %select_n3A_173, %select_n3A_183 in 0 : vector<1x1024xf32>, vector<1x1024xf32>, vector<1x1024xf32>, vector<1x1024xf32>, vector<1x1024xf32>, vector<1x1024xf32>, vector<1x1024xf32>, vector<1x1024xf32> -> vector<8x1024xf32>
      %swap3A_188 = arith.constant 0 : index
      %swap3A_189 = arith.constant 0 : index
      %swap3A_190 = vector.load %arg5[%swap3A_188, %swap3A_189] : memref<8x1024xf32, #tpu.memory_space<vmem>>, vector<8x1024xf32>
      tpu.vector_store %arg5[%swap3A_188, %swap3A_189], %concatenate3A_187 {strides = array<i32>} : memref<8x1024xf32, #tpu.memory_space<vmem>>, vector<8x1024xf32>,
      %convert_element_type3A_191 = arith.extui %gt3A_175 : vector<1x1024xi1> to vector<1x1024xi32>
      %reduce_max3A_192 = vector.shape_cast %convert_element_type3A_191 : vector<1x1024xi32> to vector<1x1x1024xi32>
      %reduce_max3A_193 = arith.constant dense<-2147483648> : vector<1xi32>
      %reduce_max3A_194 = vector.multi_reduction <maxsi>, %reduce_max3A_192, %reduce_max3A_193 [1, 2] : vector<1x1x1024xi32> to vector<1xi32>
      %reduce_max3A_195 = vector.shape_cast %reduce_max3A_194 : vector<1xi32> to vector<1x1x1xi32>
      %reduce_max3A_196 = vector.extract %reduce_max3A_195[0, 0, 0] : i32 from vector<1x1x1xi32>
      %swap3A_197 = arith.constant 0 : index
      %swap3A_198 = memref.load %arg8[%swap3A_197] : memref<1xi32, #tpu.memory_space<smem>>
      memref.store %reduce_max3A_196, %arg8[%swap3A_197] : memref<1xi32, #tpu.memory_space<smem>>
    } else {
    }
    %get3A_45 = arith.constant 0 : index
    %get3A_46 = memref.load %arg8[%get3A_45] : memref<1xi32, #tpu.memory_space<smem>>
    %eq3A_47 = arith.constant 1 : i32
    %eq3A_48 = arith.cmpi eq, %get3A_46, %eq3A_47 : i32
    %convert_element_type3A_49 = arith.extui %eq3A_48 : i1 to i32
    %cond3A_50 = arith.constant 0 : i32
    %cond3A_51 = arith.cmpi ne, %convert_element_type3A_49, %cond3A_50 : i32
    scf.if %cond3A_51 {
      %get3A_78 = arith.constant 0 : index
      %get3A_79 = arith.constant 0 : index
      %get3A_80 = vector.load %arg6[%get3A_78, %get3A_79] : memref<1024x1024xf32, #tpu.memory_space<vmem>>, vector<1024x1024xf32>
      %reduce_max3A = arith.constant dense<0xFF800000> : vector<1024xf32>
      %reduce_max3A_81 = vector.multi_reduction <maximumf>, %get3A_80, %reduce_max3A [0] : vector<1024x1024xf32> to vector<1024xf32>
      %broadcast_in_dim3A_82 = vector.shape_cast %reduce_max3A_81 : vector<1024xf32> to vector<1x1024xf32>
      %eq3A_83 = vector.broadcast %broadcast_in_dim3A_82 : vector<1x1024xf32> to vector<1024x1024xf32>
      %eq3A_84 = arith.cmpf oeq, %get3A_80, %eq3A_83 : vector<1024x1024xf32>
      %get3A_85 = arith.constant 0 : index
      %get3A_86 = arith.constant 0 : index
      %get3A_87 = vector.load %arg7[%get3A_85, %get3A_86] : memref<1024x1024xf32, #tpu.memory_space<vmem>>, vector<1024x1024xf32>
      %jit3A_88 = arith.constant -2.000000e+08 : f32
      %broadcast_in_dim3A_89 = vector.broadcast %jit3A_88 : f32 to vector<1024x1024xf32>
      %select_n3A_90 = arith.select %eq3A_84, %get3A_87, %broadcast_in_dim3A_89 : vector<1024x1024xi1>, vector<1024x1024xf32>
      %reduce_max3A_91 = arith.constant dense<0xFF800000> : vector<1024xf32>
      %reduce_max3A_92 = vector.multi_reduction <maximumf>, %select_n3A_90, %reduce_max3A_91 [0] : vector<1024x1024xf32> to vector<1024xf32>
      %broadcast_in_dim3A_93 = vector.shape_cast %reduce_max3A_92 : vector<1024xf32> to vector<1x1024xf32>
      %mul3A_94 = arith.constant 1024 : i32
      %mul3A_95 = arith.muli %arg0, %mul3A_94 : i32
      %convert_element_type3A_96 = arith.sitofp %mul3A_95 : i32 to f32
      %sub3A = vector.broadcast %convert_element_type3A_96 : f32 to vector<1x1024xf32>
      %sub3A_97 = arith.subf %broadcast_in_dim3A_93, %sub3A : vector<1x1024xf32>
      %jit3A_98 = arith.constant 0xFF800000 : f32
      %broadcast_in_dim3A_99 = vector.broadcast %jit3A_98 : f32 to vector<1024x1024xf32>
      %select_n3A_100 = arith.select %eq3A_84, %broadcast_in_dim3A_99, %get3A_80 : vector<1024x1024xi1>, vector<1024x1024xf32>
      %swap3A_101 = arith.constant 0 : index
      %swap3A_102 = arith.constant 0 : index
      %swap3A_103 = vector.load %arg6[%swap3A_101, %swap3A_102] : memref<1024x1024xf32, #tpu.memory_space<vmem>>, vector<1024x1024xf32>
      tpu.vector_store %arg6[%swap3A_101, %swap3A_102], %select_n3A_100 {strides = array<i32>} : memref<1024x1024xf32, #tpu.memory_space<vmem>>, vector<1024x1024xf32>,
      %get3A_104 = arith.constant 0 : index
      %get3A_105 = arith.constant 0 : index
      %get3A_106 = vector.load %arg4[%get3A_104, %get3A_105] : memref<8x1024xf32, #tpu.memory_space<vmem>>, vector<8x1024xf32>
      %get3A_107 = arith.constant 0 : index
      %get3A_108 = arith.constant 0 : index
      %get3A_109 = vector.load %arg5[%get3A_107, %get3A_108] : memref<8x1024xf32, #tpu.memory_space<vmem>>, vector<8x1024xf32>
      %slice3A = vector.extract_strided_slice %get3A_106 {offsets = [0, 0], sizes = [1, 1024], strides = [1, 1]} : vector<8x1024xf32> to vector<1x1024xf32>
      %gt3A = arith.cmpf ogt, %broadcast_in_dim3A_82, %slice3A : vector<1x1024xf32>
      %slice3A_110 = vector.extract_strided_slice %get3A_106 {offsets = [0, 0], sizes = [1, 1024], strides = [1, 1]} : vector<8x1024xf32> to vector<1x1024xf32>
      %select_n3A_111 = arith.select %gt3A, %broadcast_in_dim3A_82, %slice3A_110 : vector<1x1024xi1>, vector<1x1024xf32>
      %slice3A_112 = vector.extract_strided_slice %get3A_109 {offsets = [0, 0], sizes = [1, 1024], strides = [1, 1]} : vector<8x1024xf32> to vector<1x1024xf32>
      %select_n3A_113 = arith.select %gt3A, %sub3A_97, %slice3A_112 : vector<1x1024xi1>, vector<1x1024xf32>
      %slice3A_114 = vector.extract_strided_slice %get3A_106 {offsets = [1, 0], sizes = [1, 1024], strides = [1, 1]} : vector<8x1024xf32> to vector<1x1024xf32>
      %gt3A_115 = arith.cmpf ogt, %broadcast_in_dim3A_82, %slice3A_114 : vector<1x1024xf32>
      %slice3A_116 = vector.extract_strided_slice %get3A_106 {offsets = [0, 0], sizes = [1, 1024], strides = [1, 1]} : vector<8x1024xf32> to vector<1x1024xf32>
      %select_n3A_117 = arith.select %gt3A, %slice3A_116, %broadcast_in_dim3A_82 : vector<1x1024xi1>, vector<1x1024xf32>
      %slice3A_118 = vector.extract_strided_slice %get3A_106 {offsets = [1, 0], sizes = [1, 1024], strides = [1, 1]} : vector<8x1024xf32> to vector<1x1024xf32>
      %select_n3A_119 = arith.select %gt3A_115, %select_n3A_117, %slice3A_118 : vector<1x1024xi1>, vector<1x1024xf32>
      %slice3A_120 = vector.extract_strided_slice %get3A_109 {offsets = [0, 0], sizes = [1, 1024], strides = [1, 1]} : vector<8x1024xf32> to vector<1x1024xf32>
      %select_n3A_121 = arith.select %gt3A, %slice3A_120, %sub3A_97 : vector<1x1024xi1>, vector<1x1024xf32>
      %slice3A_122 = vector.extract_strided_slice %get3A_109 {offsets = [1, 0], sizes = [1, 1024], strides = [1, 1]} : vector<8x1024xf32> to vector<1x1024xf32>
      %select_n3A_123 = arith.select %gt3A_115, %select_n3A_121, %slice3A_122 : vector<1x1024xi1>, vector<1x1024xf32>
      %slice3A_124 = vector.extract_strided_slice %get3A_106 {offsets = [2, 0], sizes = [1, 1024], strides = [1, 1]} : vector<8x1024xf32> to vector<1x1024xf32>
      %gt3A_125 = arith.cmpf ogt, %broadcast_in_dim3A_82, %slice3A_124 : vector<1x1024xf32>
      %slice3A_126 = vector.extract_strided_slice %get3A_106 {offsets = [1, 0], sizes = [1, 1024], strides = [1, 1]} : vector<8x1024xf32> to vector<1x1024xf32>
      %select_n3A_127 = arith.select %gt3A_115, %slice3A_126, %broadcast_in_dim3A_82 : vector<1x1024xi1>, vector<1x1024xf32>
      %slice3A_128 = vector.extract_strided_slice %get3A_106 {offsets = [2, 0], sizes = [1, 1024], strides = [1, 1]} : vector<8x1024xf32> to vector<1x1024xf32>
      %select_n3A_129 = arith.select %gt3A_125, %select_n3A_127, %slice3A_128 : vector<1x1024xi1>, vector<1x1024xf32>
      %slice3A_130 = vector.extract_strided_slice %get3A_109 {offsets = [1, 0], sizes = [1, 1024], strides = [1, 1]} : vector<8x1024xf32> to vector<1x1024xf32>
      %select_n3A_131 = arith.select %gt3A_115, %slice3A_130, %sub3A_97 : vector<1x1024xi1>, vector<1x1024xf32>
      %slice3A_132 = vector.extract_strided_slice %get3A_109 {offsets = [2, 0], sizes = [1, 1024], strides = [1, 1]} : vector<8x1024xf32> to vector<1x1024xf32>
      %select_n3A_133 = arith.select %gt3A_125, %select_n3A_131, %slice3A_132 : vector<1x1024xi1>, vector<1x1024xf32>
      %slice3A_134 = vector.extract_strided_slice %get3A_106 {offsets = [3, 0], sizes = [1, 1024], strides = [1, 1]} : vector<8x1024xf32> to vector<1x1024xf32>
      %gt3A_135 = arith.cmpf ogt, %broadcast_in_dim3A_82, %slice3A_134 : vector<1x1024xf32>
      %slice3A_136 = vector.extract_strided_slice %get3A_106 {offsets = [2, 0], sizes = [1, 1024], strides = [1, 1]} : vector<8x1024xf32> to vector<1x1024xf32>
      %select_n3A_137 = arith.select %gt3A_125, %slice3A_136, %broadcast_in_dim3A_82 : vector<1x1024xi1>, vector<1x1024xf32>
      %slice3A_138 = vector.extract_strided_slice %get3A_106 {offsets = [3, 0], sizes = [1, 1024], strides = [1, 1]} : vector<8x1024xf32> to vector<1x1024xf32>
      %select_n3A_139 = arith.select %gt3A_135, %select_n3A_137, %slice3A_138 : vector<1x1024xi1>, vector<1x1024xf32>
      %slice3A_140 = vector.extract_strided_slice %get3A_109 {offsets = [2, 0], sizes = [1, 1024], strides = [1, 1]} : vector<8x1024xf32> to vector<1x1024xf32>
      %select_n3A_141 = arith.select %gt3A_125, %slice3A_140, %sub3A_97 : vector<1x1024xi1>, vector<1x1024xf32>
      %slice3A_142 = vector.extract_strided_slice %get3A_109 {offsets = [3, 0], sizes = [1, 1024], strides = [1, 1]} : vector<8x1024xf32> to vector<1x1024xf32>
      %select_n3A_143 = arith.select %gt3A_135, %select_n3A_141, %slice3A_142 : vector<1x1024xi1>, vector<1x1024xf32>
      %slice3A_144 = vector.extract_strided_slice %get3A_106 {offsets = [4, 0], sizes = [1, 1024], strides = [1, 1]} : vector<8x1024xf32> to vector<1x1024xf32>
      %gt3A_145 = arith.cmpf ogt, %broadcast_in_dim3A_82, %slice3A_144 : vector<1x1024xf32>
      %slice3A_146 = vector.extract_strided_slice %get3A_106 {offsets = [3, 0], sizes = [1, 1024], strides = [1, 1]} : vector<8x1024xf32> to vector<1x1024xf32>
      %select_n3A_147 = arith.select %gt3A_135, %slice3A_146, %broadcast_in_dim3A_82 : vector<1x1024xi1>, vector<1x1024xf32>
      %slice3A_148 = vector.extract_strided_slice %get3A_106 {offsets = [4, 0], sizes = [1, 1024], strides = [1, 1]} : vector<8x1024xf32> to vector<1x1024xf32>
      %select_n3A_149 = arith.select %gt3A_145, %select_n3A_147, %slice3A_148 : vector<1x1024xi1>, vector<1x1024xf32>
      %slice3A_150 = vector.extract_strided_slice %get3A_109 {offsets = [3, 0], sizes = [1, 1024], strides = [1, 1]} : vector<8x1024xf32> to vector<1x1024xf32>
      %select_n3A_151 = arith.select %gt3A_135, %slice3A_150, %sub3A_97 : vector<1x1024xi1>, vector<1x1024xf32>
      %slice3A_152 = vector.extract_strided_slice %get3A_109 {offsets = [4, 0], sizes = [1, 1024], strides = [1, 1]} : vector<8x1024xf32> to vector<1x1024xf32>
      %select_n3A_153 = arith.select %gt3A_145, %select_n3A_151, %slice3A_152 : vector<1x1024xi1>, vector<1x1024xf32>
      %slice3A_154 = vector.extract_strided_slice %get3A_106 {offsets = [5, 0], sizes = [1, 1024], strides = [1, 1]} : vector<8x1024xf32> to vector<1x1024xf32>
      %gt3A_155 = arith.cmpf ogt, %broadcast_in_dim3A_82, %slice3A_154 : vector<1x1024xf32>
      %slice3A_156 = vector.extract_strided_slice %get3A_106 {offsets = [4, 0], sizes = [1, 1024], strides = [1, 1]} : vector<8x1024xf32> to vector<1x1024xf32>
      %select_n3A_157 = arith.select %gt3A_145, %slice3A_156, %broadcast_in_dim3A_82 : vector<1x1024xi1>, vector<1x1024xf32>
      %slice3A_158 = vector.extract_strided_slice %get3A_106 {offsets = [5, 0], sizes = [1, 1024], strides = [1, 1]} : vector<8x1024xf32> to vector<1x1024xf32>
      %select_n3A_159 = arith.select %gt3A_155, %select_n3A_157, %slice3A_158 : vector<1x1024xi1>, vector<1x1024xf32>
      %slice3A_160 = vector.extract_strided_slice %get3A_109 {offsets = [4, 0], sizes = [1, 1024], strides = [1, 1]} : vector<8x1024xf32> to vector<1x1024xf32>
      %select_n3A_161 = arith.select %gt3A_145, %slice3A_160, %sub3A_97 : vector<1x1024xi1>, vector<1x1024xf32>
      %slice3A_162 = vector.extract_strided_slice %get3A_109 {offsets = [5, 0], sizes = [1, 1024], strides = [1, 1]} : vector<8x1024xf32> to vector<1x1024xf32>
      %select_n3A_163 = arith.select %gt3A_155, %select_n3A_161, %slice3A_162 : vector<1x1024xi1>, vector<1x1024xf32>
      %slice3A_164 = vector.extract_strided_slice %get3A_106 {offsets = [6, 0], sizes = [1, 1024], strides = [1, 1]} : vector<8x1024xf32> to vector<1x1024xf32>
      %gt3A_165 = arith.cmpf ogt, %broadcast_in_dim3A_82, %slice3A_164 : vector<1x1024xf32>
      %slice3A_166 = vector.extract_strided_slice %get3A_106 {offsets = [5, 0], sizes = [1, 1024], strides = [1, 1]} : vector<8x1024xf32> to vector<1x1024xf32>
      %select_n3A_167 = arith.select %gt3A_155, %slice3A_166, %broadcast_in_dim3A_82 : vector<1x1024xi1>, vector<1x1024xf32>
      %slice3A_168 = vector.extract_strided_slice %get3A_106 {offsets = [6, 0], sizes = [1, 1024], strides = [1, 1]} : vector<8x1024xf32> to vector<1x1024xf32>
      %select_n3A_169 = arith.select %gt3A_165, %select_n3A_167, %slice3A_168 : vector<1x1024xi1>, vector<1x1024xf32>
      %slice3A_170 = vector.extract_strided_slice %get3A_109 {offsets = [5, 0], sizes = [1, 1024], strides = [1, 1]} : vector<8x1024xf32> to vector<1x1024xf32>
      %select_n3A_171 = arith.select %gt3A_155, %slice3A_170, %sub3A_97 : vector<1x1024xi1>, vector<1x1024xf32>
      %slice3A_172 = vector.extract_strided_slice %get3A_109 {offsets = [6, 0], sizes = [1, 1024], strides = [1, 1]} : vector<8x1024xf32> to vector<1x1024xf32>
      %select_n3A_173 = arith.select %gt3A_165, %select_n3A_171, %slice3A_172 : vector<1x1024xi1>, vector<1x1024xf32>
      %slice3A_174 = vector.extract_strided_slice %get3A_106 {offsets = [7, 0], sizes = [1, 1024], strides = [1, 1]} : vector<8x1024xf32> to vector<1x1024xf32>
      %gt3A_175 = arith.cmpf ogt, %broadcast_in_dim3A_82, %slice3A_174 : vector<1x1024xf32>
      %slice3A_176 = vector.extract_strided_slice %get3A_106 {offsets = [6, 0], sizes = [1, 1024], strides = [1, 1]} : vector<8x1024xf32> to vector<1x1024xf32>
      %select_n3A_177 = arith.select %gt3A_165, %slice3A_176, %broadcast_in_dim3A_82 : vector<1x1024xi1>, vector<1x1024xf32>
      %slice3A_178 = vector.extract_strided_slice %get3A_106 {offsets = [7, 0], sizes = [1, 1024], strides = [1, 1]} : vector<8x1024xf32> to vector<1x1024xf32>
      %select_n3A_179 = arith.select %gt3A_175, %select_n3A_177, %slice3A_178 : vector<1x1024xi1>, vector<1x1024xf32>
      %slice3A_180 = vector.extract_strided_slice %get3A_109 {offsets = [6, 0], sizes = [1, 1024], strides = [1, 1]} : vector<8x1024xf32> to vector<1x1024xf32>
      %select_n3A_181 = arith.select %gt3A_165, %slice3A_180, %sub3A_97 : vector<1x1024xi1>, vector<1x1024xf32>
      %slice3A_182 = vector.extract_strided_slice %get3A_109 {offsets = [7, 0], sizes = [1, 1024], strides = [1, 1]} : vector<8x1024xf32> to vector<1x1024xf32>
      %select_n3A_183 = arith.select %gt3A_175, %select_n3A_181, %slice3A_182 : vector<1x1024xi1>, vector<1x1024xf32>
      %concatenate3A = tpu.concatenate %select_n3A_111, %select_n3A_119, %select_n3A_129, %select_n3A_139, %select_n3A_149, %select_n3A_159, %select_n3A_169, %select_n3A_179 in 0 : vector<1x1024xf32>, vector<1x1024xf32>, vector<1x1024xf32>, vector<1x1024xf32>, vector<1x1024xf32>, vector<1x1024xf32>, vector<1x1024xf32>, vector<1x1024xf32> -> vector<8x1024xf32>
      %swap3A_184 = arith.constant 0 : index
      %swap3A_185 = arith.constant 0 : index
      %swap3A_186 = vector.load %arg4[%swap3A_184, %swap3A_185] : memref<8x1024xf32, #tpu.memory_space<vmem>>, vector<8x1024xf32>
      tpu.vector_store %arg4[%swap3A_184, %swap3A_185], %concatenate3A {strides = array<i32>} : memref<8x1024xf32, #tpu.memory_space<vmem>>, vector<8x1024xf32>,
      %concatenate3A_187 = tpu.concatenate %select_n3A_113, %select_n3A_123, %select_n3A_133, %select_n3A_143, %select_n3A_153, %select_n3A_163, %select_n3A_173, %select_n3A_183 in 0 : vector<1x1024xf32>, vector<1x1024xf32>, vector<1x1024xf32>, vector<1x1024xf32>, vector<1x1024xf32>, vector<1x1024xf32>, vector<1x1024xf32>, vector<1x1024xf32> -> vector<8x1024xf32>
      %swap3A_188 = arith.constant 0 : index
      %swap3A_189 = arith.constant 0 : index
      %swap3A_190 = vector.load %arg5[%swap3A_188, %swap3A_189] : memref<8x1024xf32, #tpu.memory_space<vmem>>, vector<8x1024xf32>
      tpu.vector_store %arg5[%swap3A_188, %swap3A_189], %concatenate3A_187 {strides = array<i32>} : memref<8x1024xf32, #tpu.memory_space<vmem>>, vector<8x1024xf32>,
      %convert_element_type3A_191 = arith.extui %gt3A_175 : vector<1x1024xi1> to vector<1x1024xi32>
      %reduce_max3A_192 = vector.shape_cast %convert_element_type3A_191 : vector<1x1024xi32> to vector<1x1x1024xi32>
      %reduce_max3A_193 = arith.constant dense<-2147483648> : vector<1xi32>
      %reduce_max3A_194 = vector.multi_reduction <maxsi>, %reduce_max3A_192, %reduce_max3A_193 [1, 2] : vector<1x1x1024xi32> to vector<1xi32>
      %reduce_max3A_195 = vector.shape_cast %reduce_max3A_194 : vector<1xi32> to vector<1x1x1xi32>
      %reduce_max3A_196 = vector.extract %reduce_max3A_195[0, 0, 0] : i32 from vector<1x1x1xi32>
      %swap3A_197 = arith.constant 0 : index
      %swap3A_198 = memref.load %arg8[%swap3A_197] : memref<1xi32, #tpu.memory_space<smem>>
      memref.store %reduce_max3A_196, %arg8[%swap3A_197] : memref<1xi32, #tpu.memory_space<smem>>
    } else {
    }
    %get3A_52 = arith.constant 0 : index
    %get3A_53 = memref.load %arg8[%get3A_52] : memref<1xi32, #tpu.memory_space<smem>>
    %eq3A_54 = arith.constant 1 : i32
    %eq3A_55 = arith.cmpi eq, %get3A_53, %eq3A_54 : i32
    %convert_element_type3A_56 = arith.extui %eq3A_55 : i1 to i32
    %cond3A_57 = arith.constant 0 : i32
    %cond3A_58 = arith.cmpi ne, %convert_element_type3A_56, %cond3A_57 : i32
    scf.if %cond3A_58 {
      %get3A_78 = arith.constant 0 : index
      %get3A_79 = arith.constant 0 : index
      %get3A_80 = vector.load %arg6[%get3A_78, %get3A_79] : memref<1024x1024xf32, #tpu.memory_space<vmem>>, vector<1024x1024xf32>
      %reduce_max3A = arith.constant dense<0xFF800000> : vector<1024xf32>
      %reduce_max3A_81 = vector.multi_reduction <maximumf>, %get3A_80, %reduce_max3A [0] : vector<1024x1024xf32> to vector<1024xf32>
      %broadcast_in_dim3A_82 = vector.shape_cast %reduce_max3A_81 : vector<1024xf32> to vector<1x1024xf32>
      %eq3A_83 = vector.broadcast %broadcast_in_dim3A_82 : vector<1x1024xf32> to vector<1024x1024xf32>
      %eq3A_84 = arith.cmpf oeq, %get3A_80, %eq3A_83 : vector<1024x1024xf32>
      %get3A_85 = arith.constant 0 : index
      %get3A_86 = arith.constant 0 : index
      %get3A_87 = vector.load %arg7[%get3A_85, %get3A_86] : memref<1024x1024xf32, #tpu.memory_space<vmem>>, vector<1024x1024xf32>
      %jit3A_88 = arith.constant -2.000000e+08 : f32
      %broadcast_in_dim3A_89 = vector.broadcast %jit3A_88 : f32 to vector<1024x1024xf32>
      %select_n3A_90 = arith.select %eq3A_84, %get3A_87, %broadcast_in_dim3A_89 : vector<1024x1024xi1>, vector<1024x1024xf32>
      %reduce_max3A_91 = arith.constant dense<0xFF800000> : vector<1024xf32>
      %reduce_max3A_92 = vector.multi_reduction <maximumf>, %select_n3A_90, %reduce_max3A_91 [0] : vector<1024x1024xf32> to vector<1024xf32>
      %broadcast_in_dim3A_93 = vector.shape_cast %reduce_max3A_92 : vector<1024xf32> to vector<1x1024xf32>
      %mul3A_94 = arith.constant 1024 : i32
      %mul3A_95 = arith.muli %arg0, %mul3A_94 : i32
      %convert_element_type3A_96 = arith.sitofp %mul3A_95 : i32 to f32
      %sub3A = vector.broadcast %convert_element_type3A_96 : f32 to vector<1x1024xf32>
      %sub3A_97 = arith.subf %broadcast_in_dim3A_93, %sub3A : vector<1x1024xf32>
      %jit3A_98 = arith.constant 0xFF800000 : f32
      %broadcast_in_dim3A_99 = vector.broadcast %jit3A_98 : f32 to vector<1024x1024xf32>
      %select_n3A_100 = arith.select %eq3A_84, %broadcast_in_dim3A_99, %get3A_80 : vector<1024x1024xi1>, vector<1024x1024xf32>
      %swap3A_101 = arith.constant 0 : index
      %swap3A_102 = arith.constant 0 : index
      %swap3A_103 = vector.load %arg6[%swap3A_101, %swap3A_102] : memref<1024x1024xf32, #tpu.memory_space<vmem>>, vector<1024x1024xf32>
      tpu.vector_store %arg6[%swap3A_101, %swap3A_102], %select_n3A_100 {strides = array<i32>} : memref<1024x1024xf32, #tpu.memory_space<vmem>>, vector<1024x1024xf32>,
      %get3A_104 = arith.constant 0 : index
      %get3A_105 = arith.constant 0 : index
      %get3A_106 = vector.load %arg4[%get3A_104, %get3A_105] : memref<8x1024xf32, #tpu.memory_space<vmem>>, vector<8x1024xf32>
      %get3A_107 = arith.constant 0 : index
      %get3A_108 = arith.constant 0 : index
      %get3A_109 = vector.load %arg5[%get3A_107, %get3A_108] : memref<8x1024xf32, #tpu.memory_space<vmem>>, vector<8x1024xf32>
      %slice3A = vector.extract_strided_slice %get3A_106 {offsets = [0, 0], sizes = [1, 1024], strides = [1, 1]} : vector<8x1024xf32> to vector<1x1024xf32>
      %gt3A = arith.cmpf ogt, %broadcast_in_dim3A_82, %slice3A : vector<1x1024xf32>
      %slice3A_110 = vector.extract_strided_slice %get3A_106 {offsets = [0, 0], sizes = [1, 1024], strides = [1, 1]} : vector<8x1024xf32> to vector<1x1024xf32>
      %select_n3A_111 = arith.select %gt3A, %broadcast_in_dim3A_82, %slice3A_110 : vector<1x1024xi1>, vector<1x1024xf32>
      %slice3A_112 = vector.extract_strided_slice %get3A_109 {offsets = [0, 0], sizes = [1, 1024], strides = [1, 1]} : vector<8x1024xf32> to vector<1x1024xf32>
      %select_n3A_113 = arith.select %gt3A, %sub3A_97, %slice3A_112 : vector<1x1024xi1>, vector<1x1024xf32>
      %slice3A_114 = vector.extract_strided_slice %get3A_106 {offsets = [1, 0], sizes = [1, 1024], strides = [1, 1]} : vector<8x1024xf32> to vector<1x1024xf32>
      %gt3A_115 = arith.cmpf ogt, %broadcast_in_dim3A_82, %slice3A_114 : vector<1x1024xf32>
      %slice3A_116 = vector.extract_strided_slice %get3A_106 {offsets = [0, 0], sizes = [1, 1024], strides = [1, 1]} : vector<8x1024xf32> to vector<1x1024xf32>
      %select_n3A_117 = arith.select %gt3A, %slice3A_116, %broadcast_in_dim3A_82 : vector<1x1024xi1>, vector<1x1024xf32>
      %slice3A_118 = vector.extract_strided_slice %get3A_106 {offsets = [1, 0], sizes = [1, 1024], strides = [1, 1]} : vector<8x1024xf32> to vector<1x1024xf32>
      %select_n3A_119 = arith.select %gt3A_115, %select_n3A_117, %slice3A_118 : vector<1x1024xi1>, vector<1x1024xf32>
      %slice3A_120 = vector.extract_strided_slice %get3A_109 {offsets = [0, 0], sizes = [1, 1024], strides = [1, 1]} : vector<8x1024xf32> to vector<1x1024xf32>
      %select_n3A_121 = arith.select %gt3A, %slice3A_120, %sub3A_97 : vector<1x1024xi1>, vector<1x1024xf32>
      %slice3A_122 = vector.extract_strided_slice %get3A_109 {offsets = [1, 0], sizes = [1, 1024], strides = [1, 1]} : vector<8x1024xf32> to vector<1x1024xf32>
      %select_n3A_123 = arith.select %gt3A_115, %select_n3A_121, %slice3A_122 : vector<1x1024xi1>, vector<1x1024xf32>
      %slice3A_124 = vector.extract_strided_slice %get3A_106 {offsets = [2, 0], sizes = [1, 1024], strides = [1, 1]} : vector<8x1024xf32> to vector<1x1024xf32>
      %gt3A_125 = arith.cmpf ogt, %broadcast_in_dim3A_82, %slice3A_124 : vector<1x1024xf32>
      %slice3A_126 = vector.extract_strided_slice %get3A_106 {offsets = [1, 0], sizes = [1, 1024], strides = [1, 1]} : vector<8x1024xf32> to vector<1x1024xf32>
      %select_n3A_127 = arith.select %gt3A_115, %slice3A_126, %broadcast_in_dim3A_82 : vector<1x1024xi1>, vector<1x1024xf32>
      %slice3A_128 = vector.extract_strided_slice %get3A_106 {offsets = [2, 0], sizes = [1, 1024], strides = [1, 1]} : vector<8x1024xf32> to vector<1x1024xf32>
      %select_n3A_129 = arith.select %gt3A_125, %select_n3A_127, %slice3A_128 : vector<1x1024xi1>, vector<1x1024xf32>
      %slice3A_130 = vector.extract_strided_slice %get3A_109 {offsets = [1, 0], sizes = [1, 1024], strides = [1, 1]} : vector<8x1024xf32> to vector<1x1024xf32>
      %select_n3A_131 = arith.select %gt3A_115, %slice3A_130, %sub3A_97 : vector<1x1024xi1>, vector<1x1024xf32>
      %slice3A_132 = vector.extract_strided_slice %get3A_109 {offsets = [2, 0], sizes = [1, 1024], strides = [1, 1]} : vector<8x1024xf32> to vector<1x1024xf32>
      %select_n3A_133 = arith.select %gt3A_125, %select_n3A_131, %slice3A_132 : vector<1x1024xi1>, vector<1x1024xf32>
      %slice3A_134 = vector.extract_strided_slice %get3A_106 {offsets = [3, 0], sizes = [1, 1024], strides = [1, 1]} : vector<8x1024xf32> to vector<1x1024xf32>
      %gt3A_135 = arith.cmpf ogt, %broadcast_in_dim3A_82, %slice3A_134 : vector<1x1024xf32>
      %slice3A_136 = vector.extract_strided_slice %get3A_106 {offsets = [2, 0], sizes = [1, 1024], strides = [1, 1]} : vector<8x1024xf32> to vector<1x1024xf32>
      %select_n3A_137 = arith.select %gt3A_125, %slice3A_136, %broadcast_in_dim3A_82 : vector<1x1024xi1>, vector<1x1024xf32>
      %slice3A_138 = vector.extract_strided_slice %get3A_106 {offsets = [3, 0], sizes = [1, 1024], strides = [1, 1]} : vector<8x1024xf32> to vector<1x1024xf32>
      %select_n3A_139 = arith.select %gt3A_135, %select_n3A_137, %slice3A_138 : vector<1x1024xi1>, vector<1x1024xf32>
      %slice3A_140 = vector.extract_strided_slice %get3A_109 {offsets = [2, 0], sizes = [1, 1024], strides = [1, 1]} : vector<8x1024xf32> to vector<1x1024xf32>
      %select_n3A_141 = arith.select %gt3A_125, %slice3A_140, %sub3A_97 : vector<1x1024xi1>, vector<1x1024xf32>
      %slice3A_142 = vector.extract_strided_slice %get3A_109 {offsets = [3, 0], sizes = [1, 1024], strides = [1, 1]} : vector<8x1024xf32> to vector<1x1024xf32>
      %select_n3A_143 = arith.select %gt3A_135, %select_n3A_141, %slice3A_142 : vector<1x1024xi1>, vector<1x1024xf32>
      %slice3A_144 = vector.extract_strided_slice %get3A_106 {offsets = [4, 0], sizes = [1, 1024], strides = [1, 1]} : vector<8x1024xf32> to vector<1x1024xf32>
      %gt3A_145 = arith.cmpf ogt, %broadcast_in_dim3A_82, %slice3A_144 : vector<1x1024xf32>
      %slice3A_146 = vector.extract_strided_slice %get3A_106 {offsets = [3, 0], sizes = [1, 1024], strides = [1, 1]} : vector<8x1024xf32> to vector<1x1024xf32>
      %select_n3A_147 = arith.select %gt3A_135, %slice3A_146, %broadcast_in_dim3A_82 : vector<1x1024xi1>, vector<1x1024xf32>
      %slice3A_148 = vector.extract_strided_slice %get3A_106 {offsets = [4, 0], sizes = [1, 1024], strides = [1, 1]} : vector<8x1024xf32> to vector<1x1024xf32>
      %select_n3A_149 = arith.select %gt3A_145, %select_n3A_147, %slice3A_148 : vector<1x1024xi1>, vector<1x1024xf32>
      %slice3A_150 = vector.extract_strided_slice %get3A_109 {offsets = [3, 0], sizes = [1, 1024], strides = [1, 1]} : vector<8x1024xf32> to vector<1x1024xf32>
      %select_n3A_151 = arith.select %gt3A_135, %slice3A_150, %sub3A_97 : vector<1x1024xi1>, vector<1x1024xf32>
      %slice3A_152 = vector.extract_strided_slice %get3A_109 {offsets = [4, 0], sizes = [1, 1024], strides = [1, 1]} : vector<8x1024xf32> to vector<1x1024xf32>
      %select_n3A_153 = arith.select %gt3A_145, %select_n3A_151, %slice3A_152 : vector<1x1024xi1>, vector<1x1024xf32>
      %slice3A_154 = vector.extract_strided_slice %get3A_106 {offsets = [5, 0], sizes = [1, 1024], strides = [1, 1]} : vector<8x1024xf32> to vector<1x1024xf32>
      %gt3A_155 = arith.cmpf ogt, %broadcast_in_dim3A_82, %slice3A_154 : vector<1x1024xf32>
      %slice3A_156 = vector.extract_strided_slice %get3A_106 {offsets = [4, 0], sizes = [1, 1024], strides = [1, 1]} : vector<8x1024xf32> to vector<1x1024xf32>
      %select_n3A_157 = arith.select %gt3A_145, %slice3A_156, %broadcast_in_dim3A_82 : vector<1x1024xi1>, vector<1x1024xf32>
      %slice3A_158 = vector.extract_strided_slice %get3A_106 {offsets = [5, 0], sizes = [1, 1024], strides = [1, 1]} : vector<8x1024xf32> to vector<1x1024xf32>
      %select_n3A_159 = arith.select %gt3A_155, %select_n3A_157, %slice3A_158 : vector<1x1024xi1>, vector<1x1024xf32>
      %slice3A_160 = vector.extract_strided_slice %get3A_109 {offsets = [4, 0], sizes = [1, 1024], strides = [1, 1]} : vector<8x1024xf32> to vector<1x1024xf32>
      %select_n3A_161 = arith.select %gt3A_145, %slice3A_160, %sub3A_97 : vector<1x1024xi1>, vector<1x1024xf32>
      %slice3A_162 = vector.extract_strided_slice %get3A_109 {offsets = [5, 0], sizes = [1, 1024], strides = [1, 1]} : vector<8x1024xf32> to vector<1x1024xf32>
      %select_n3A_163 = arith.select %gt3A_155, %select_n3A_161, %slice3A_162 : vector<1x1024xi1>, vector<1x1024xf32>
      %slice3A_164 = vector.extract_strided_slice %get3A_106 {offsets = [6, 0], sizes = [1, 1024], strides = [1, 1]} : vector<8x1024xf32> to vector<1x1024xf32>
      %gt3A_165 = arith.cmpf ogt, %broadcast_in_dim3A_82, %slice3A_164 : vector<1x1024xf32>
      %slice3A_166 = vector.extract_strided_slice %get3A_106 {offsets = [5, 0], sizes = [1, 1024], strides = [1, 1]} : vector<8x1024xf32> to vector<1x1024xf32>
      %select_n3A_167 = arith.select %gt3A_155, %slice3A_166, %broadcast_in_dim3A_82 : vector<1x1024xi1>, vector<1x1024xf32>
      %slice3A_168 = vector.extract_strided_slice %get3A_106 {offsets = [6, 0], sizes = [1, 1024], strides = [1, 1]} : vector<8x1024xf32> to vector<1x1024xf32>
      %select_n3A_169 = arith.select %gt3A_165, %select_n3A_167, %slice3A_168 : vector<1x1024xi1>, vector<1x1024xf32>
      %slice3A_170 = vector.extract_strided_slice %get3A_109 {offsets = [5, 0], sizes = [1, 1024], strides = [1, 1]} : vector<8x1024xf32> to vector<1x1024xf32>
      %select_n3A_171 = arith.select %gt3A_155, %slice3A_170, %sub3A_97 : vector<1x1024xi1>, vector<1x1024xf32>
      %slice3A_172 = vector.extract_strided_slice %get3A_109 {offsets = [6, 0], sizes = [1, 1024], strides = [1, 1]} : vector<8x1024xf32> to vector<1x1024xf32>
      %select_n3A_173 = arith.select %gt3A_165, %select_n3A_171, %slice3A_172 : vector<1x1024xi1>, vector<1x1024xf32>
      %slice3A_174 = vector.extract_strided_slice %get3A_106 {offsets = [7, 0], sizes = [1, 1024], strides = [1, 1]} : vector<8x1024xf32> to vector<1x1024xf32>
      %gt3A_175 = arith.cmpf ogt, %broadcast_in_dim3A_82, %slice3A_174 : vector<1x1024xf32>
      %slice3A_176 = vector.extract_strided_slice %get3A_106 {offsets = [6, 0], sizes = [1, 1024], strides = [1, 1]} : vector<8x1024xf32> to vector<1x1024xf32>
      %select_n3A_177 = arith.select %gt3A_165, %slice3A_176, %broadcast_in_dim3A_82 : vector<1x1024xi1>, vector<1x1024xf32>
      %slice3A_178 = vector.extract_strided_slice %get3A_106 {offsets = [7, 0], sizes = [1, 1024], strides = [1, 1]} : vector<8x1024xf32> to vector<1x1024xf32>
      %select_n3A_179 = arith.select %gt3A_175, %select_n3A_177, %slice3A_178 : vector<1x1024xi1>, vector<1x1024xf32>
      %slice3A_180 = vector.extract_strided_slice %get3A_109 {offsets = [6, 0], sizes = [1, 1024], strides = [1, 1]} : vector<8x1024xf32> to vector<1x1024xf32>
      %select_n3A_181 = arith.select %gt3A_165, %slice3A_180, %sub3A_97 : vector<1x1024xi1>, vector<1x1024xf32>
      %slice3A_182 = vector.extract_strided_slice %get3A_109 {offsets = [7, 0], sizes = [1, 1024], strides = [1, 1]} : vector<8x1024xf32> to vector<1x1024xf32>
      %select_n3A_183 = arith.select %gt3A_175, %select_n3A_181, %slice3A_182 : vector<1x1024xi1>, vector<1x1024xf32>
      %concatenate3A = tpu.concatenate %select_n3A_111, %select_n3A_119, %select_n3A_129, %select_n3A_139, %select_n3A_149, %select_n3A_159, %select_n3A_169, %select_n3A_179 in 0 : vector<1x1024xf32>, vector<1x1024xf32>, vector<1x1024xf32>, vector<1x1024xf32>, vector<1x1024xf32>, vector<1x1024xf32>, vector<1x1024xf32>, vector<1x1024xf32> -> vector<8x1024xf32>
      %swap3A_184 = arith.constant 0 : index
      %swap3A_185 = arith.constant 0 : index
      %swap3A_186 = vector.load %arg4[%swap3A_184, %swap3A_185] : memref<8x1024xf32, #tpu.memory_space<vmem>>, vector<8x1024xf32>
      tpu.vector_store %arg4[%swap3A_184, %swap3A_185], %concatenate3A {strides = array<i32>} : memref<8x1024xf32, #tpu.memory_space<vmem>>, vector<8x1024xf32>,
      %concatenate3A_187 = tpu.concatenate %select_n3A_113, %select_n3A_123, %select_n3A_133, %select_n3A_143, %select_n3A_153, %select_n3A_163, %select_n3A_173, %select_n3A_183 in 0 : vector<1x1024xf32>, vector<1x1024xf32>, vector<1x1024xf32>, vector<1x1024xf32>, vector<1x1024xf32>, vector<1x1024xf32>, vector<1x1024xf32>, vector<1x1024xf32> -> vector<8x1024xf32>
      %swap3A_188 = arith.constant 0 : index
      %swap3A_189 = arith.constant 0 : index
      %swap3A_190 = vector.load %arg5[%swap3A_188, %swap3A_189] : memref<8x1024xf32, #tpu.memory_space<vmem>>, vector<8x1024xf32>
      tpu.vector_store %arg5[%swap3A_188, %swap3A_189], %concatenate3A_187 {strides = array<i32>} : memref<8x1024xf32, #tpu.memory_space<vmem>>, vector<8x1024xf32>,
      %convert_element_type3A_191 = arith.extui %gt3A_175 : vector<1x1024xi1> to vector<1x1024xi32>
      %reduce_max3A_192 = vector.shape_cast %convert_element_type3A_191 : vector<1x1024xi32> to vector<1x1x1024xi32>
      %reduce_max3A_193 = arith.constant dense<-2147483648> : vector<1xi32>
      %reduce_max3A_194 = vector.multi_reduction <maxsi>, %reduce_max3A_192, %reduce_max3A_193 [1, 2] : vector<1x1x1024xi32> to vector<1xi32>
      %reduce_max3A_195 = vector.shape_cast %reduce_max3A_194 : vector<1xi32> to vector<1x1x1xi32>
      %reduce_max3A_196 = vector.extract %reduce_max3A_195[0, 0, 0] : i32 from vector<1x1x1xi32>
      %swap3A_197 = arith.constant 0 : index
      %swap3A_198 = memref.load %arg8[%swap3A_197] : memref<1xi32, #tpu.memory_space<smem>>
      memref.store %reduce_max3A_196, %arg8[%swap3A_197] : memref<1xi32, #tpu.memory_space<smem>>
    } else {
    }
    %get3A_59 = arith.constant 0 : index
    %get3A_60 = memref.load %arg8[%get3A_59] : memref<1xi32, #tpu.memory_space<smem>>
    %eq3A_61 = arith.constant 1 : i32
    %eq3A_62 = arith.cmpi eq, %get3A_60, %eq3A_61 : i32
    %convert_element_type3A_63 = arith.extui %eq3A_62 : i1 to i32
    %cond3A_64 = arith.constant 0 : i32
    %cond3A_65 = arith.cmpi ne, %convert_element_type3A_63, %cond3A_64 : i32
    scf.if %cond3A_65 {
      %get3A_78 = arith.constant 0 : index
      %get3A_79 = arith.constant 0 : index
      %get3A_80 = vector.load %arg6[%get3A_78, %get3A_79] : memref<1024x1024xf32, #tpu.memory_space<vmem>>, vector<1024x1024xf32>
      %reduce_max3A = arith.constant dense<0xFF800000> : vector<1024xf32>
      %reduce_max3A_81 = vector.multi_reduction <maximumf>, %get3A_80, %reduce_max3A [0] : vector<1024x1024xf32> to vector<1024xf32>
      %broadcast_in_dim3A_82 = vector.shape_cast %reduce_max3A_81 : vector<1024xf32> to vector<1x1024xf32>
      %eq3A_83 = vector.broadcast %broadcast_in_dim3A_82 : vector<1x1024xf32> to vector<1024x1024xf32>
      %eq3A_84 = arith.cmpf oeq, %get3A_80, %eq3A_83 : vector<1024x1024xf32>
      %get3A_85 = arith.constant 0 : index
      %get3A_86 = arith.constant 0 : index
      %get3A_87 = vector.load %arg7[%get3A_85, %get3A_86] : memref<1024x1024xf32, #tpu.memory_space<vmem>>, vector<1024x1024xf32>
      %jit3A_88 = arith.constant -2.000000e+08 : f32
      %broadcast_in_dim3A_89 = vector.broadcast %jit3A_88 : f32 to vector<1024x1024xf32>
      %select_n3A_90 = arith.select %eq3A_84, %get3A_87, %broadcast_in_dim3A_89 : vector<1024x1024xi1>, vector<1024x1024xf32>
      %reduce_max3A_91 = arith.constant dense<0xFF800000> : vector<1024xf32>
      %reduce_max3A_92 = vector.multi_reduction <maximumf>, %select_n3A_90, %reduce_max3A_91 [0] : vector<1024x1024xf32> to vector<1024xf32>
      %broadcast_in_dim3A_93 = vector.shape_cast %reduce_max3A_92 : vector<1024xf32> to vector<1x1024xf32>
      %mul3A_94 = arith.constant 1024 : i32
      %mul3A_95 = arith.muli %arg0, %mul3A_94 : i32
      %convert_element_type3A_96 = arith.sitofp %mul3A_95 : i32 to f32
      %sub3A = vector.broadcast %convert_element_type3A_96 : f32 to vector<1x1024xf32>
      %sub3A_97 = arith.subf %broadcast_in_dim3A_93, %sub3A : vector<1x1024xf32>
      %jit3A_98 = arith.constant 0xFF800000 : f32
      %broadcast_in_dim3A_99 = vector.broadcast %jit3A_98 : f32 to vector<1024x1024xf32>
      %select_n3A_100 = arith.select %eq3A_84, %broadcast_in_dim3A_99, %get3A_80 : vector<1024x1024xi1>, vector<1024x1024xf32>
      %swap3A_101 = arith.constant 0 : index
      %swap3A_102 = arith.constant 0 : index
      %swap3A_103 = vector.load %arg6[%swap3A_101, %swap3A_102] : memref<1024x1024xf32, #tpu.memory_space<vmem>>, vector<1024x1024xf32>
      tpu.vector_store %arg6[%swap3A_101, %swap3A_102], %select_n3A_100 {strides = array<i32>} : memref<1024x1024xf32, #tpu.memory_space<vmem>>, vector<1024x1024xf32>,
      %get3A_104 = arith.constant 0 : index
      %get3A_105 = arith.constant 0 : index
      %get3A_106 = vector.load %arg4[%get3A_104, %get3A_105] : memref<8x1024xf32, #tpu.memory_space<vmem>>, vector<8x1024xf32>
      %get3A_107 = arith.constant 0 : index
      %get3A_108 = arith.constant 0 : index
      %get3A_109 = vector.load %arg5[%get3A_107, %get3A_108] : memref<8x1024xf32, #tpu.memory_space<vmem>>, vector<8x1024xf32>
      %slice3A = vector.extract_strided_slice %get3A_106 {offsets = [0, 0], sizes = [1, 1024], strides = [1, 1]} : vector<8x1024xf32> to vector<1x1024xf32>
      %gt3A = arith.cmpf ogt, %broadcast_in_dim3A_82, %slice3A : vector<1x1024xf32>
      %slice3A_110 = vector.extract_strided_slice %get3A_106 {offsets = [0, 0], sizes = [1, 1024], strides = [1, 1]} : vector<8x1024xf32> to vector<1x1024xf32>
      %select_n3A_111 = arith.select %gt3A, %broadcast_in_dim3A_82, %slice3A_110 : vector<1x1024xi1>, vector<1x1024xf32>
      %slice3A_112 = vector.extract_strided_slice %get3A_109 {offsets = [0, 0], sizes = [1, 1024], strides = [1, 1]} : vector<8x1024xf32> to vector<1x1024xf32>
      %select_n3A_113 = arith.select %gt3A, %sub3A_97, %slice3A_112 : vector<1x1024xi1>, vector<1x1024xf32>
      %slice3A_114 = vector.extract_strided_slice %get3A_106 {offsets = [1, 0], sizes = [1, 1024], strides = [1, 1]} : vector<8x1024xf32> to vector<1x1024xf32>
      %gt3A_115 = arith.cmpf ogt, %broadcast_in_dim3A_82, %slice3A_114 : vector<1x1024xf32>
      %slice3A_116 = vector.extract_strided_slice %get3A_106 {offsets = [0, 0], sizes = [1, 1024], strides = [1, 1]} : vector<8x1024xf32> to vector<1x1024xf32>
      %select_n3A_117 = arith.select %gt3A, %slice3A_116, %broadcast_in_dim3A_82 : vector<1x1024xi1>, vector<1x1024xf32>
      %slice3A_118 = vector.extract_strided_slice %get3A_106 {offsets = [1, 0], sizes = [1, 1024], strides = [1, 1]} : vector<8x1024xf32> to vector<1x1024xf32>
      %select_n3A_119 = arith.select %gt3A_115, %select_n3A_117, %slice3A_118 : vector<1x1024xi1>, vector<1x1024xf32>
      %slice3A_120 = vector.extract_strided_slice %get3A_109 {offsets = [0, 0], sizes = [1, 1024], strides = [1, 1]} : vector<8x1024xf32> to vector<1x1024xf32>
      %select_n3A_121 = arith.select %gt3A, %slice3A_120, %sub3A_97 : vector<1x1024xi1>, vector<1x1024xf32>
      %slice3A_122 = vector.extract_strided_slice %get3A_109 {offsets = [1, 0], sizes = [1, 1024], strides = [1, 1]} : vector<8x1024xf32> to vector<1x1024xf32>
      %select_n3A_123 = arith.select %gt3A_115, %select_n3A_121, %slice3A_122 : vector<1x1024xi1>, vector<1x1024xf32>
      %slice3A_124 = vector.extract_strided_slice %get3A_106 {offsets = [2, 0], sizes = [1, 1024], strides = [1, 1]} : vector<8x1024xf32> to vector<1x1024xf32>
      %gt3A_125 = arith.cmpf ogt, %broadcast_in_dim3A_82, %slice3A_124 : vector<1x1024xf32>
      %slice3A_126 = vector.extract_strided_slice %get3A_106 {offsets = [1, 0], sizes = [1, 1024], strides = [1, 1]} : vector<8x1024xf32> to vector<1x1024xf32>
      %select_n3A_127 = arith.select %gt3A_115, %slice3A_126, %broadcast_in_dim3A_82 : vector<1x1024xi1>, vector<1x1024xf32>
      %slice3A_128 = vector.extract_strided_slice %get3A_106 {offsets = [2, 0], sizes = [1, 1024], strides = [1, 1]} : vector<8x1024xf32> to vector<1x1024xf32>
      %select_n3A_129 = arith.select %gt3A_125, %select_n3A_127, %slice3A_128 : vector<1x1024xi1>, vector<1x1024xf32>
      %slice3A_130 = vector.extract_strided_slice %get3A_109 {offsets = [1, 0], sizes = [1, 1024], strides = [1, 1]} : vector<8x1024xf32> to vector<1x1024xf32>
      %select_n3A_131 = arith.select %gt3A_115, %slice3A_130, %sub3A_97 : vector<1x1024xi1>, vector<1x1024xf32>
      %slice3A_132 = vector.extract_strided_slice %get3A_109 {offsets = [2, 0], sizes = [1, 1024], strides = [1, 1]} : vector<8x1024xf32> to vector<1x1024xf32>
      %select_n3A_133 = arith.select %gt3A_125, %select_n3A_131, %slice3A_132 : vector<1x1024xi1>, vector<1x1024xf32>
      %slice3A_134 = vector.extract_strided_slice %get3A_106 {offsets = [3, 0], sizes = [1, 1024], strides = [1, 1]} : vector<8x1024xf32> to vector<1x1024xf32>
      %gt3A_135 = arith.cmpf ogt, %broadcast_in_dim3A_82, %slice3A_134 : vector<1x1024xf32>
      %slice3A_136 = vector.extract_strided_slice %get3A_106 {offsets = [2, 0], sizes = [1, 1024], strides = [1, 1]} : vector<8x1024xf32> to vector<1x1024xf32>
      %select_n3A_137 = arith.select %gt3A_125, %slice3A_136, %broadcast_in_dim3A_82 : vector<1x1024xi1>, vector<1x1024xf32>
      %slice3A_138 = vector.extract_strided_slice %get3A_106 {offsets = [3, 0], sizes = [1, 1024], strides = [1, 1]} : vector<8x1024xf32> to vector<1x1024xf32>
      %select_n3A_139 = arith.select %gt3A_135, %select_n3A_137, %slice3A_138 : vector<1x1024xi1>, vector<1x1024xf32>
      %slice3A_140 = vector.extract_strided_slice %get3A_109 {offsets = [2, 0], sizes = [1, 1024], strides = [1, 1]} : vector<8x1024xf32> to vector<1x1024xf32>
      %select_n3A_141 = arith.select %gt3A_125, %slice3A_140, %sub3A_97 : vector<1x1024xi1>, vector<1x1024xf32>
      %slice3A_142 = vector.extract_strided_slice %get3A_109 {offsets = [3, 0], sizes = [1, 1024], strides = [1, 1]} : vector<8x1024xf32> to vector<1x1024xf32>
      %select_n3A_143 = arith.select %gt3A_135, %select_n3A_141, %slice3A_142 : vector<1x1024xi1>, vector<1x1024xf32>
      %slice3A_144 = vector.extract_strided_slice %get3A_106 {offsets = [4, 0], sizes = [1, 1024], strides = [1, 1]} : vector<8x1024xf32> to vector<1x1024xf32>
      %gt3A_145 = arith.cmpf ogt, %broadcast_in_dim3A_82, %slice3A_144 : vector<1x1024xf32>
      %slice3A_146 = vector.extract_strided_slice %get3A_106 {offsets = [3, 0], sizes = [1, 1024], strides = [1, 1]} : vector<8x1024xf32> to vector<1x1024xf32>
      %select_n3A_147 = arith.select %gt3A_135, %slice3A_146, %broadcast_in_dim3A_82 : vector<1x1024xi1>, vector<1x1024xf32>
      %slice3A_148 = vector.extract_strided_slice %get3A_106 {offsets = [4, 0], sizes = [1, 1024], strides = [1, 1]} : vector<8x1024xf32> to vector<1x1024xf32>
      %select_n3A_149 = arith.select %gt3A_145, %select_n3A_147, %slice3A_148 : vector<1x1024xi1>, vector<1x1024xf32>
      %slice3A_150 = vector.extract_strided_slice %get3A_109 {offsets = [3, 0], sizes = [1, 1024], strides = [1, 1]} : vector<8x1024xf32> to vector<1x1024xf32>
      %select_n3A_151 = arith.select %gt3A_135, %slice3A_150, %sub3A_97 : vector<1x1024xi1>, vector<1x1024xf32>
      %slice3A_152 = vector.extract_strided_slice %get3A_109 {offsets = [4, 0], sizes = [1, 1024], strides = [1, 1]} : vector<8x1024xf32> to vector<1x1024xf32>
      %select_n3A_153 = arith.select %gt3A_145, %select_n3A_151, %slice3A_152 : vector<1x1024xi1>, vector<1x1024xf32>
      %slice3A_154 = vector.extract_strided_slice %get3A_106 {offsets = [5, 0], sizes = [1, 1024], strides = [1, 1]} : vector<8x1024xf32> to vector<1x1024xf32>
      %gt3A_155 = arith.cmpf ogt, %broadcast_in_dim3A_82, %slice3A_154 : vector<1x1024xf32>
      %slice3A_156 = vector.extract_strided_slice %get3A_106 {offsets = [4, 0], sizes = [1, 1024], strides = [1, 1]} : vector<8x1024xf32> to vector<1x1024xf32>
      %select_n3A_157 = arith.select %gt3A_145, %slice3A_156, %broadcast_in_dim3A_82 : vector<1x1024xi1>, vector<1x1024xf32>
      %slice3A_158 = vector.extract_strided_slice %get3A_106 {offsets = [5, 0], sizes = [1, 1024], strides = [1, 1]} : vector<8x1024xf32> to vector<1x1024xf32>
      %select_n3A_159 = arith.select %gt3A_155, %select_n3A_157, %slice3A_158 : vector<1x1024xi1>, vector<1x1024xf32>
      %slice3A_160 = vector.extract_strided_slice %get3A_109 {offsets = [4, 0], sizes = [1, 1024], strides = [1, 1]} : vector<8x1024xf32> to vector<1x1024xf32>
      %select_n3A_161 = arith.select %gt3A_145, %slice3A_160, %sub3A_97 : vector<1x1024xi1>, vector<1x1024xf32>
      %slice3A_162 = vector.extract_strided_slice %get3A_109 {offsets = [5, 0], sizes = [1, 1024], strides = [1, 1]} : vector<8x1024xf32> to vector<1x1024xf32>
      %select_n3A_163 = arith.select %gt3A_155, %select_n3A_161, %slice3A_162 : vector<1x1024xi1>, vector<1x1024xf32>
      %slice3A_164 = vector.extract_strided_slice %get3A_106 {offsets = [6, 0], sizes = [1, 1024], strides = [1, 1]} : vector<8x1024xf32> to vector<1x1024xf32>
      %gt3A_165 = arith.cmpf ogt, %broadcast_in_dim3A_82, %slice3A_164 : vector<1x1024xf32>
      %slice3A_166 = vector.extract_strided_slice %get3A_106 {offsets = [5, 0], sizes = [1, 1024], strides = [1, 1]} : vector<8x1024xf32> to vector<1x1024xf32>
      %select_n3A_167 = arith.select %gt3A_155, %slice3A_166, %broadcast_in_dim3A_82 : vector<1x1024xi1>, vector<1x1024xf32>
      %slice3A_168 = vector.extract_strided_slice %get3A_106 {offsets = [6, 0], sizes = [1, 1024], strides = [1, 1]} : vector<8x1024xf32> to vector<1x1024xf32>
      %select_n3A_169 = arith.select %gt3A_165, %select_n3A_167, %slice3A_168 : vector<1x1024xi1>, vector<1x1024xf32>
      %slice3A_170 = vector.extract_strided_slice %get3A_109 {offsets = [5, 0], sizes = [1, 1024], strides = [1, 1]} : vector<8x1024xf32> to vector<1x1024xf32>
      %select_n3A_171 = arith.select %gt3A_155, %slice3A_170, %sub3A_97 : vector<1x1024xi1>, vector<1x1024xf32>
      %slice3A_172 = vector.extract_strided_slice %get3A_109 {offsets = [6, 0], sizes = [1, 1024], strides = [1, 1]} : vector<8x1024xf32> to vector<1x1024xf32>
      %select_n3A_173 = arith.select %gt3A_165, %select_n3A_171, %slice3A_172 : vector<1x1024xi1>, vector<1x1024xf32>
      %slice3A_174 = vector.extract_strided_slice %get3A_106 {offsets = [7, 0], sizes = [1, 1024], strides = [1, 1]} : vector<8x1024xf32> to vector<1x1024xf32>
      %gt3A_175 = arith.cmpf ogt, %broadcast_in_dim3A_82, %slice3A_174 : vector<1x1024xf32>
      %slice3A_176 = vector.extract_strided_slice %get3A_106 {offsets = [6, 0], sizes = [1, 1024], strides = [1, 1]} : vector<8x1024xf32> to vector<1x1024xf32>
      %select_n3A_177 = arith.select %gt3A_165, %slice3A_176, %broadcast_in_dim3A_82 : vector<1x1024xi1>, vector<1x1024xf32>
      %slice3A_178 = vector.extract_strided_slice %get3A_106 {offsets = [7, 0], sizes = [1, 1024], strides = [1, 1]} : vector<8x1024xf32> to vector<1x1024xf32>
      %select_n3A_179 = arith.select %gt3A_175, %select_n3A_177, %slice3A_178 : vector<1x1024xi1>, vector<1x1024xf32>
      %slice3A_180 = vector.extract_strided_slice %get3A_109 {offsets = [6, 0], sizes = [1, 1024], strides = [1, 1]} : vector<8x1024xf32> to vector<1x1024xf32>
      %select_n3A_181 = arith.select %gt3A_165, %slice3A_180, %sub3A_97 : vector<1x1024xi1>, vector<1x1024xf32>
      %slice3A_182 = vector.extract_strided_slice %get3A_109 {offsets = [7, 0], sizes = [1, 1024], strides = [1, 1]} : vector<8x1024xf32> to vector<1x1024xf32>
      %select_n3A_183 = arith.select %gt3A_175, %select_n3A_181, %slice3A_182 : vector<1x1024xi1>, vector<1x1024xf32>
      %concatenate3A = tpu.concatenate %select_n3A_111, %select_n3A_119, %select_n3A_129, %select_n3A_139, %select_n3A_149, %select_n3A_159, %select_n3A_169, %select_n3A_179 in 0 : vector<1x1024xf32>, vector<1x1024xf32>, vector<1x1024xf32>, vector<1x1024xf32>, vector<1x1024xf32>, vector<1x1024xf32>, vector<1x1024xf32>, vector<1x1024xf32> -> vector<8x1024xf32>
      %swap3A_184 = arith.constant 0 : index
      %swap3A_185 = arith.constant 0 : index
      %swap3A_186 = vector.load %arg4[%swap3A_184, %swap3A_185] : memref<8x1024xf32, #tpu.memory_space<vmem>>, vector<8x1024xf32>
      tpu.vector_store %arg4[%swap3A_184, %swap3A_185], %concatenate3A {strides = array<i32>} : memref<8x1024xf32, #tpu.memory_space<vmem>>, vector<8x1024xf32>,
      %concatenate3A_187 = tpu.concatenate %select_n3A_113, %select_n3A_123, %select_n3A_133, %select_n3A_143, %select_n3A_153, %select_n3A_163, %select_n3A_173, %select_n3A_183 in 0 : vector<1x1024xf32>, vector<1x1024xf32>, vector<1x1024xf32>, vector<1x1024xf32>, vector<1x1024xf32>, vector<1x1024xf32>, vector<1x1024xf32>, vector<1x1024xf32> -> vector<8x1024xf32>
      %swap3A_188 = arith.constant 0 : index
      %swap3A_189 = arith.constant 0 : index
      %swap3A_190 = vector.load %arg5[%swap3A_188, %swap3A_189] : memref<8x1024xf32, #tpu.memory_space<vmem>>, vector<8x1024xf32>
      tpu.vector_store %arg5[%swap3A_188, %swap3A_189], %concatenate3A_187 {strides = array<i32>} : memref<8x1024xf32, #tpu.memory_space<vmem>>, vector<8x1024xf32>,
      %convert_element_type3A_191 = arith.extui %gt3A_175 : vector<1x1024xi1> to vector<1x1024xi32>
      %reduce_max3A_192 = vector.shape_cast %convert_element_type3A_191 : vector<1x1024xi32> to vector<1x1x1024xi32>
      %reduce_max3A_193 = arith.constant dense<-2147483648> : vector<1xi32>
      %reduce_max3A_194 = vector.multi_reduction <maxsi>, %reduce_max3A_192, %reduce_max3A_193 [1, 2] : vector<1x1x1024xi32> to vector<1xi32>
      %reduce_max3A_195 = vector.shape_cast %reduce_max3A_194 : vector<1xi32> to vector<1x1x1xi32>
      %reduce_max3A_196 = vector.extract %reduce_max3A_195[0, 0, 0] : i32 from vector<1x1x1xi32>
      %swap3A_197 = arith.constant 0 : index
      %swap3A_198 = memref.load %arg8[%swap3A_197] : memref<1xi32, #tpu.memory_space<smem>>
      memref.store %reduce_max3A_196, %arg8[%swap3A_197] : memref<1xi32, #tpu.memory_space<smem>>
    } else {
    }
    %get3A_66 = arith.constant 0 : index
    %get3A_67 = memref.load %arg8[%get3A_66] : memref<1xi32, #tpu.memory_space<smem>>
    %eq3A_68 = arith.constant 1 : i32
    %eq3A_69 = arith.cmpi eq, %get3A_67, %eq3A_68 : i32
    %convert_element_type3A_70 = arith.extui %eq3A_69 : i1 to i32
    %cond3A_71 = arith.constant 0 : i32
    %cond3A_72 = arith.cmpi ne, %convert_element_type3A_70, %cond3A_71 : i32
    scf.if %cond3A_72 {
      %get3A_78 = arith.constant 0 : index
      %get3A_79 = arith.constant 0 : index
      %get3A_80 = vector.load %arg6[%get3A_78, %get3A_79] : memref<1024x1024xf32, #tpu.memory_space<vmem>>, vector<1024x1024xf32>
      %reduce_max3A = arith.constant dense<0xFF800000> : vector<1024xf32>
      %reduce_max3A_81 = vector.multi_reduction <maximumf>, %get3A_80, %reduce_max3A [0] : vector<1024x1024xf32> to vector<1024xf32>
      %broadcast_in_dim3A_82 = vector.shape_cast %reduce_max3A_81 : vector<1024xf32> to vector<1x1024xf32>
      %eq3A_83 = vector.broadcast %broadcast_in_dim3A_82 : vector<1x1024xf32> to vector<1024x1024xf32>
      %eq3A_84 = arith.cmpf oeq, %get3A_80, %eq3A_83 : vector<1024x1024xf32>
      %get3A_85 = arith.constant 0 : index
      %get3A_86 = arith.constant 0 : index
      %get3A_87 = vector.load %arg7[%get3A_85, %get3A_86] : memref<1024x1024xf32, #tpu.memory_space<vmem>>, vector<1024x1024xf32>
      %jit3A_88 = arith.constant -2.000000e+08 : f32
      %broadcast_in_dim3A_89 = vector.broadcast %jit3A_88 : f32 to vector<1024x1024xf32>
      %select_n3A_90 = arith.select %eq3A_84, %get3A_87, %broadcast_in_dim3A_89 : vector<1024x1024xi1>, vector<1024x1024xf32>
      %reduce_max3A_91 = arith.constant dense<0xFF800000> : vector<1024xf32>
      %reduce_max3A_92 = vector.multi_reduction <maximumf>, %select_n3A_90, %reduce_max3A_91 [0] : vector<1024x1024xf32> to vector<1024xf32>
      %broadcast_in_dim3A_93 = vector.shape_cast %reduce_max3A_92 : vector<1024xf32> to vector<1x1024xf32>
      %mul3A_94 = arith.constant 1024 : i32
      %mul3A_95 = arith.muli %arg0, %mul3A_94 : i32
      %convert_element_type3A_96 = arith.sitofp %mul3A_95 : i32 to f32
      %sub3A = vector.broadcast %convert_element_type3A_96 : f32 to vector<1x1024xf32>
      %sub3A_97 = arith.subf %broadcast_in_dim3A_93, %sub3A : vector<1x1024xf32>
      %jit3A_98 = arith.constant 0xFF800000 : f32
      %broadcast_in_dim3A_99 = vector.broadcast %jit3A_98 : f32 to vector<1024x1024xf32>
      %select_n3A_100 = arith.select %eq3A_84, %broadcast_in_dim3A_99, %get3A_80 : vector<1024x1024xi1>, vector<1024x1024xf32>
      %swap3A_101 = arith.constant 0 : index
      %swap3A_102 = arith.constant 0 : index
      %swap3A_103 = vector.load %arg6[%swap3A_101, %swap3A_102] : memref<1024x1024xf32, #tpu.memory_space<vmem>>, vector<1024x1024xf32>
      tpu.vector_store %arg6[%swap3A_101, %swap3A_102], %select_n3A_100 {strides = array<i32>} : memref<1024x1024xf32, #tpu.memory_space<vmem>>, vector<1024x1024xf32>,
      %get3A_104 = arith.constant 0 : index
      %get3A_105 = arith.constant 0 : index
      %get3A_106 = vector.load %arg4[%get3A_104, %get3A_105] : memref<8x1024xf32, #tpu.memory_space<vmem>>, vector<8x1024xf32>
      %get3A_107 = arith.constant 0 : index
      %get3A_108 = arith.constant 0 : index
      %get3A_109 = vector.load %arg5[%get3A_107, %get3A_108] : memref<8x1024xf32, #tpu.memory_space<vmem>>, vector<8x1024xf32>
      %slice3A = vector.extract_strided_slice %get3A_106 {offsets = [0, 0], sizes = [1, 1024], strides = [1, 1]} : vector<8x1024xf32> to vector<1x1024xf32>
      %gt3A = arith.cmpf ogt, %broadcast_in_dim3A_82, %slice3A : vector<1x1024xf32>
      %slice3A_110 = vector.extract_strided_slice %get3A_106 {offsets = [0, 0], sizes = [1, 1024], strides = [1, 1]} : vector<8x1024xf32> to vector<1x1024xf32>
      %select_n3A_111 = arith.select %gt3A, %broadcast_in_dim3A_82, %slice3A_110 : vector<1x1024xi1>, vector<1x1024xf32>
      %slice3A_112 = vector.extract_strided_slice %get3A_109 {offsets = [0, 0], sizes = [1, 1024], strides = [1, 1]} : vector<8x1024xf32> to vector<1x1024xf32>
      %select_n3A_113 = arith.select %gt3A, %sub3A_97, %slice3A_112 : vector<1x1024xi1>, vector<1x1024xf32>
      %slice3A_114 = vector.extract_strided_slice %get3A_106 {offsets = [1, 0], sizes = [1, 1024], strides = [1, 1]} : vector<8x1024xf32> to vector<1x1024xf32>
      %gt3A_115 = arith.cmpf ogt, %broadcast_in_dim3A_82, %slice3A_114 : vector<1x1024xf32>
      %slice3A_116 = vector.extract_strided_slice %get3A_106 {offsets = [0, 0], sizes = [1, 1024], strides = [1, 1]} : vector<8x1024xf32> to vector<1x1024xf32>
      %select_n3A_117 = arith.select %gt3A, %slice3A_116, %broadcast_in_dim3A_82 : vector<1x1024xi1>, vector<1x1024xf32>
      %slice3A_118 = vector.extract_strided_slice %get3A_106 {offsets = [1, 0], sizes = [1, 1024], strides = [1, 1]} : vector<8x1024xf32> to vector<1x1024xf32>
      %select_n3A_119 = arith.select %gt3A_115, %select_n3A_117, %slice3A_118 : vector<1x1024xi1>, vector<1x1024xf32>
      %slice3A_120 = vector.extract_strided_slice %get3A_109 {offsets = [0, 0], sizes = [1, 1024], strides = [1, 1]} : vector<8x1024xf32> to vector<1x1024xf32>
      %select_n3A_121 = arith.select %gt3A, %slice3A_120, %sub3A_97 : vector<1x1024xi1>, vector<1x1024xf32>
      %slice3A_122 = vector.extract_strided_slice %get3A_109 {offsets = [1, 0], sizes = [1, 1024], strides = [1, 1]} : vector<8x1024xf32> to vector<1x1024xf32>
      %select_n3A_123 = arith.select %gt3A_115, %select_n3A_121, %slice3A_122 : vector<1x1024xi1>, vector<1x1024xf32>
      %slice3A_124 = vector.extract_strided_slice %get3A_106 {offsets = [2, 0], sizes = [1, 1024], strides = [1, 1]} : vector<8x1024xf32> to vector<1x1024xf32>
      %gt3A_125 = arith.cmpf ogt, %broadcast_in_dim3A_82, %slice3A_124 : vector<1x1024xf32>
      %slice3A_126 = vector.extract_strided_slice %get3A_106 {offsets = [1, 0], sizes = [1, 1024], strides = [1, 1]} : vector<8x1024xf32> to vector<1x1024xf32>
      %select_n3A_127 = arith.select %gt3A_115, %slice3A_126, %broadcast_in_dim3A_82 : vector<1x1024xi1>, vector<1x1024xf32>
      %slice3A_128 = vector.extract_strided_slice %get3A_106 {offsets = [2, 0], sizes = [1, 1024], strides = [1, 1]} : vector<8x1024xf32> to vector<1x1024xf32>
      %select_n3A_129 = arith.select %gt3A_125, %select_n3A_127, %slice3A_128 : vector<1x1024xi1>, vector<1x1024xf32>
      %slice3A_130 = vector.extract_strided_slice %get3A_109 {offsets = [1, 0], sizes = [1, 1024], strides = [1, 1]} : vector<8x1024xf32> to vector<1x1024xf32>
      %select_n3A_131 = arith.select %gt3A_115, %slice3A_130, %sub3A_97 : vector<1x1024xi1>, vector<1x1024xf32>
      %slice3A_132 = vector.extract_strided_slice %get3A_109 {offsets = [2, 0], sizes = [1, 1024], strides = [1, 1]} : vector<8x1024xf32> to vector<1x1024xf32>
      %select_n3A_133 = arith.select %gt3A_125, %select_n3A_131, %slice3A_132 : vector<1x1024xi1>, vector<1x1024xf32>
      %slice3A_134 = vector.extract_strided_slice %get3A_106 {offsets = [3, 0], sizes = [1, 1024], strides = [1, 1]} : vector<8x1024xf32> to vector<1x1024xf32>
      %gt3A_135 = arith.cmpf ogt, %broadcast_in_dim3A_82, %slice3A_134 : vector<1x1024xf32>
      %slice3A_136 = vector.extract_strided_slice %get3A_106 {offsets = [2, 0], sizes = [1, 1024], strides = [1, 1]} : vector<8x1024xf32> to vector<1x1024xf32>
      %select_n3A_137 = arith.select %gt3A_125, %slice3A_136, %broadcast_in_dim3A_82 : vector<1x1024xi1>, vector<1x1024xf32>
      %slice3A_138 = vector.extract_strided_slice %get3A_106 {offsets = [3, 0], sizes = [1, 1024], strides = [1, 1]} : vector<8x1024xf32> to vector<1x1024xf32>
      %select_n3A_139 = arith.select %gt3A_135, %select_n3A_137, %slice3A_138 : vector<1x1024xi1>, vector<1x1024xf32>
      %slice3A_140 = vector.extract_strided_slice %get3A_109 {offsets = [2, 0], sizes = [1, 1024], strides = [1, 1]} : vector<8x1024xf32> to vector<1x1024xf32>
      %select_n3A_141 = arith.select %gt3A_125, %slice3A_140, %sub3A_97 : vector<1x1024xi1>, vector<1x1024xf32>
      %slice3A_142 = vector.extract_strided_slice %get3A_109 {offsets = [3, 0], sizes = [1, 1024], strides = [1, 1]} : vector<8x1024xf32> to vector<1x1024xf32>
      %select_n3A_143 = arith.select %gt3A_135, %select_n3A_141, %slice3A_142 : vector<1x1024xi1>, vector<1x1024xf32>
      %slice3A_144 = vector.extract_strided_slice %get3A_106 {offsets = [4, 0], sizes = [1, 1024], strides = [1, 1]} : vector<8x1024xf32> to vector<1x1024xf32>
      %gt3A_145 = arith.cmpf ogt, %broadcast_in_dim3A_82, %slice3A_144 : vector<1x1024xf32>
      %slice3A_146 = vector.extract_strided_slice %get3A_106 {offsets = [3, 0], sizes = [1, 1024], strides = [1, 1]} : vector<8x1024xf32> to vector<1x1024xf32>
      %select_n3A_147 = arith.select %gt3A_135, %slice3A_146, %broadcast_in_dim3A_82 : vector<1x1024xi1>, vector<1x1024xf32>
      %slice3A_148 = vector.extract_strided_slice %get3A_106 {offsets = [4, 0], sizes = [1, 1024], strides = [1, 1]} : vector<8x1024xf32> to vector<1x1024xf32>
      %select_n3A_149 = arith.select %gt3A_145, %select_n3A_147, %slice3A_148 : vector<1x1024xi1>, vector<1x1024xf32>
      %slice3A_150 = vector.extract_strided_slice %get3A_109 {offsets = [3, 0], sizes = [1, 1024], strides = [1, 1]} : vector<8x1024xf32> to vector<1x1024xf32>
      %select_n3A_151 = arith.select %gt3A_135, %slice3A_150, %sub3A_97 : vector<1x1024xi1>, vector<1x1024xf32>
      %slice3A_152 = vector.extract_strided_slice %get3A_109 {offsets = [4, 0], sizes = [1, 1024], strides = [1, 1]} : vector<8x1024xf32> to vector<1x1024xf32>
      %select_n3A_153 = arith.select %gt3A_145, %select_n3A_151, %slice3A_152 : vector<1x1024xi1>, vector<1x1024xf32>
      %slice3A_154 = vector.extract_strided_slice %get3A_106 {offsets = [5, 0], sizes = [1, 1024], strides = [1, 1]} : vector<8x1024xf32> to vector<1x1024xf32>
      %gt3A_155 = arith.cmpf ogt, %broadcast_in_dim3A_82, %slice3A_154 : vector<1x1024xf32>
      %slice3A_156 = vector.extract_strided_slice %get3A_106 {offsets = [4, 0], sizes = [1, 1024], strides = [1, 1]} : vector<8x1024xf32> to vector<1x1024xf32>
      %select_n3A_157 = arith.select %gt3A_145, %slice3A_156, %broadcast_in_dim3A_82 : vector<1x1024xi1>, vector<1x1024xf32>
      %slice3A_158 = vector.extract_strided_slice %get3A_106 {offsets = [5, 0], sizes = [1, 1024], strides = [1, 1]} : vector<8x1024xf32> to vector<1x1024xf32>
      %select_n3A_159 = arith.select %gt3A_155, %select_n3A_157, %slice3A_158 : vector<1x1024xi1>, vector<1x1024xf32>
      %slice3A_160 = vector.extract_strided_slice %get3A_109 {offsets = [4, 0], sizes = [1, 1024], strides = [1, 1]} : vector<8x1024xf32> to vector<1x1024xf32>
      %select_n3A_161 = arith.select %gt3A_145, %slice3A_160, %sub3A_97 : vector<1x1024xi1>, vector<1x1024xf32>
      %slice3A_162 = vector.extract_strided_slice %get3A_109 {offsets = [5, 0], sizes = [1, 1024], strides = [1, 1]} : vector<8x1024xf32> to vector<1x1024xf32>
      %select_n3A_163 = arith.select %gt3A_155, %select_n3A_161, %slice3A_162 : vector<1x1024xi1>, vector<1x1024xf32>
      %slice3A_164 = vector.extract_strided_slice %get3A_106 {offsets = [6, 0], sizes = [1, 1024], strides = [1, 1]} : vector<8x1024xf32> to vector<1x1024xf32>
      %gt3A_165 = arith.cmpf ogt, %broadcast_in_dim3A_82, %slice3A_164 : vector<1x1024xf32>
      %slice3A_166 = vector.extract_strided_slice %get3A_106 {offsets = [5, 0], sizes = [1, 1024], strides = [1, 1]} : vector<8x1024xf32> to vector<1x1024xf32>
      %select_n3A_167 = arith.select %gt3A_155, %slice3A_166, %broadcast_in_dim3A_82 : vector<1x1024xi1>, vector<1x1024xf32>
      %slice3A_168 = vector.extract_strided_slice %get3A_106 {offsets = [6, 0], sizes = [1, 1024], strides = [1, 1]} : vector<8x1024xf32> to vector<1x1024xf32>
      %select_n3A_169 = arith.select %gt3A_165, %select_n3A_167, %slice3A_168 : vector<1x1024xi1>, vector<1x1024xf32>
      %slice3A_170 = vector.extract_strided_slice %get3A_109 {offsets = [5, 0], sizes = [1, 1024], strides = [1, 1]} : vector<8x1024xf32> to vector<1x1024xf32>
      %select_n3A_171 = arith.select %gt3A_155, %slice3A_170, %sub3A_97 : vector<1x1024xi1>, vector<1x1024xf32>
      %slice3A_172 = vector.extract_strided_slice %get3A_109 {offsets = [6, 0], sizes = [1, 1024], strides = [1, 1]} : vector<8x1024xf32> to vector<1x1024xf32>
      %select_n3A_173 = arith.select %gt3A_165, %select_n3A_171, %slice3A_172 : vector<1x1024xi1>, vector<1x1024xf32>
      %slice3A_174 = vector.extract_strided_slice %get3A_106 {offsets = [7, 0], sizes = [1, 1024], strides = [1, 1]} : vector<8x1024xf32> to vector<1x1024xf32>
      %gt3A_175 = arith.cmpf ogt, %broadcast_in_dim3A_82, %slice3A_174 : vector<1x1024xf32>
      %slice3A_176 = vector.extract_strided_slice %get3A_106 {offsets = [6, 0], sizes = [1, 1024], strides = [1, 1]} : vector<8x1024xf32> to vector<1x1024xf32>
      %select_n3A_177 = arith.select %gt3A_165, %slice3A_176, %broadcast_in_dim3A_82 : vector<1x1024xi1>, vector<1x1024xf32>
      %slice3A_178 = vector.extract_strided_slice %get3A_106 {offsets = [7, 0], sizes = [1, 1024], strides = [1, 1]} : vector<8x1024xf32> to vector<1x1024xf32>
      %select_n3A_179 = arith.select %gt3A_175, %select_n3A_177, %slice3A_178 : vector<1x1024xi1>, vector<1x1024xf32>
      %slice3A_180 = vector.extract_strided_slice %get3A_109 {offsets = [6, 0], sizes = [1, 1024], strides = [1, 1]} : vector<8x1024xf32> to vector<1x1024xf32>
      %select_n3A_181 = arith.select %gt3A_165, %slice3A_180, %sub3A_97 : vector<1x1024xi1>, vector<1x1024xf32>
      %slice3A_182 = vector.extract_strided_slice %get3A_109 {offsets = [7, 0], sizes = [1, 1024], strides = [1, 1]} : vector<8x1024xf32> to vector<1x1024xf32>
      %select_n3A_183 = arith.select %gt3A_175, %select_n3A_181, %slice3A_182 : vector<1x1024xi1>, vector<1x1024xf32>
      %concatenate3A = tpu.concatenate %select_n3A_111, %select_n3A_119, %select_n3A_129, %select_n3A_139, %select_n3A_149, %select_n3A_159, %select_n3A_169, %select_n3A_179 in 0 : vector<1x1024xf32>, vector<1x1024xf32>, vector<1x1024xf32>, vector<1x1024xf32>, vector<1x1024xf32>, vector<1x1024xf32>, vector<1x1024xf32>, vector<1x1024xf32> -> vector<8x1024xf32>
      %swap3A_184 = arith.constant 0 : index
      %swap3A_185 = arith.constant 0 : index
      %swap3A_186 = vector.load %arg4[%swap3A_184, %swap3A_185] : memref<8x1024xf32, #tpu.memory_space<vmem>>, vector<8x1024xf32>
      tpu.vector_store %arg4[%swap3A_184, %swap3A_185], %concatenate3A {strides = array<i32>} : memref<8x1024xf32, #tpu.memory_space<vmem>>, vector<8x1024xf32>,
      %concatenate3A_187 = tpu.concatenate %select_n3A_113, %select_n3A_123, %select_n3A_133, %select_n3A_143, %select_n3A_153, %select_n3A_163, %select_n3A_173, %select_n3A_183 in 0 : vector<1x1024xf32>, vector<1x1024xf32>, vector<1x1024xf32>, vector<1x1024xf32>, vector<1x1024xf32>, vector<1x1024xf32>, vector<1x1024xf32>, vector<1x1024xf32> -> vector<8x1024xf32>
      %swap3A_188 = arith.constant 0 : index
      %swap3A_189 = arith.constant 0 : index
      %swap3A_190 = vector.load %arg5[%swap3A_188, %swap3A_189] : memref<8x1024xf32, #tpu.memory_space<vmem>>, vector<8x1024xf32>
      tpu.vector_store %arg5[%swap3A_188, %swap3A_189], %concatenate3A_187 {strides = array<i32>} : memref<8x1024xf32, #tpu.memory_space<vmem>>, vector<8x1024xf32>,
      %convert_element_type3A_191 = arith.extui %gt3A_175 : vector<1x1024xi1> to vector<1x1024xi32>
      %reduce_max3A_192 = vector.shape_cast %convert_element_type3A_191 : vector<1x1024xi32> to vector<1x1x1024xi32>
      %reduce_max3A_193 = arith.constant dense<-2147483648> : vector<1xi32>
      %reduce_max3A_194 = vector.multi_reduction <maxsi>, %reduce_max3A_192, %reduce_max3A_193 [1, 2] : vector<1x1x1024xi32> to vector<1xi32>
      %reduce_max3A_195 = vector.shape_cast %reduce_max3A_194 : vector<1xi32> to vector<1x1x1xi32>
      %reduce_max3A_196 = vector.extract %reduce_max3A_195[0, 0, 0] : i32 from vector<1x1x1xi32>
      %swap3A_197 = arith.constant 0 : index
      %swap3A_198 = memref.load %arg8[%swap3A_197] : memref<1xi32, #tpu.memory_space<smem>>
      memref.store %reduce_max3A_196, %arg8[%swap3A_197] : memref<1xi32, #tpu.memory_space<smem>>
    } else {
    }
    %eq3A_73 = arith.constant 97 : i32
    %eq3A_74 = arith.cmpi eq, %arg0, %eq3A_73 : i32
    %convert_element_type3A_75 = arith.extui %eq3A_74 : i1 to i32
    %cond3A_76 = arith.constant 0 : i32
    %cond3A_77 = arith.cmpi ne, %convert_element_type3A_75, %cond3A_76 : i32
    scf.if %cond3A_77 {
      %get3A_78 = arith.constant 0 : index
      %get3A_79 = arith.constant 0 : index
      %get3A_80 = vector.load %arg5[%get3A_78, %get3A_79] : memref<8x1024xf32, #tpu.memory_space<vmem>>, vector<8x1024xf32>
      %neg3A = arith.constant 0.000000e+00 : f32
      %neg3A_81 = vector.broadcast %neg3A : f32 to vector<8x1024xf32>
      %neg3A_82 = arith.subf %neg3A_81, %get3A_80 : vector<8x1024xf32>
      %convert_element_type3A_83 = arith.fptosi %neg3A_82 : vector<8x1024xf32> to vector<8x1024xi32>
      %broadcast_in_dim3A_84 = vector.shape_cast %convert_element_type3A_83 : vector<8x1024xi32> to vector<8x1024x1xi32>
      %mul3A_85 = arith.constant 16 : i32
      %mul3A_86 = vector.broadcast %mul3A_85 : i32 to vector<8x1024x1xi32>
      %mul3A_87 = arith.muli %broadcast_in_dim3A_84, %mul3A_86 : vector<8x1024x1xi32>
      %iota3A_88 = tpu.iota {dimensions = array<i32: 2>} : vector<8x1024x16xi32>
      %add3A_89 = vector.broadcast %mul3A_87 : vector<8x1024x1xi32> to vector<8x1024x16xi32>
      %add3A_90 = arith.addi %add3A_89, %iota3A_88 : vector<8x1024x16xi32>
      %swap3A_91 = arith.constant 0 : index
      %swap3A_92 = arith.constant 0 : index
      %swap3A_93 = arith.constant 0 : index
      %swap3A_94 = vector.load %arg3[%swap3A_91, %swap3A_92, %swap3A_93] : memref<8x1024x16xi32, #tpu.memory_space<vmem>>, vector<8x1024x16xi32>
      tpu.vector_store %arg3[%swap3A_91, %swap3A_92, %swap3A_93], %add3A_90 {strides = array<i32>} : memref<8x1024x16xi32, #tpu.memory_space<vmem>>, vector<8x1024x16xi32>,
    } else {
    }
    return
  }
  func.func @transform_0(%arg0: i32) -> (i32, i32) {
    %c0_i32 = arith.constant 0 : i32
    %c0_i32_0 = arith.constant 0 : i32
    %c0_i32_1 = arith.constant 0 : i32
    return %c0_i32, %c0_i32_0 : i32, i32
  }
  func.func @transform_1(%arg0: i32) -> (i32, i32) {
    %c0_i32 = arith.constant 0 : i32
    %c0_i32_0 = arith.constant 0 : i32
    return %arg0, %c0_i32 : i32, i32
  }
  func.func @transform_2(%arg0: i32) -> (i32, i32, i32) {
    %c0_i32 = arith.constant 0 : i32
    %c0_i32_0 = arith.constant 0 : i32
    %c0_i32_1 = arith.constant 0 : i32
    %c0_i32_2 = arith.constant 0 : i32
    return %c0_i32, %c0_i32_0, %c0_i32_1 : i32, i32, i32
  }
}

module attributes {stable_mosaic.version = 14 : i64} {
  func.func @_loss_body(%arg0: memref<8x1024x16xf32, #tpu.memory_space<vmem>>, %arg1: memref<1024x16xf32, #tpu.memory_space<vmem>>, %arg2: memref<1x1xf32, #tpu.memory_space<vmem>>) attributes {dimension_semantics = [], scalar_prefetch = 0 : i64, scratch_operands = 0 : i64, tpu.core_type = #tpu.core_type<tc>} {
    %get3A = arith.constant 0 : index
    %get3A_0 = arith.constant 0 : index
    %get3A_1 = arith.constant 0 : index
    %get3A_2 = vector.load %arg0[%get3A, %get3A_0, %get3A_1] : memref<8x1024x16xf32, #tpu.memory_space<vmem>>, vector<1x1024x16xf32>
    %get3A_3 = vector.shape_cast %get3A_2 : vector<1x1024x16xf32> to vector<1024x16xf32>
    %get3A_4 = arith.constant 1 : index
    %get3A_5 = arith.constant 0 : index
    %get3A_6 = arith.constant 0 : index
    %get3A_7 = vector.load %arg0[%get3A_4, %get3A_5, %get3A_6] : memref<8x1024x16xf32, #tpu.memory_space<vmem>>, vector<1x1024x16xf32>
    %get3A_8 = vector.shape_cast %get3A_7 : vector<1x1024x16xf32> to vector<1024x16xf32>
    %add3A = arith.addf %get3A_3, %get3A_8 : vector<1024x16xf32>
    %get3A_9 = arith.constant 2 : index
    %get3A_10 = arith.constant 0 : index
    %get3A_11 = arith.constant 0 : index
    %get3A_12 = vector.load %arg0[%get3A_9, %get3A_10, %get3A_11] : memref<8x1024x16xf32, #tpu.memory_space<vmem>>, vector<1x1024x16xf32>
    %get3A_13 = vector.shape_cast %get3A_12 : vector<1x1024x16xf32> to vector<1024x16xf32>
    %add3A_14 = arith.addf %add3A, %get3A_13 : vector<1024x16xf32>
    %get3A_15 = arith.constant 3 : index
    %get3A_16 = arith.constant 0 : index
    %get3A_17 = arith.constant 0 : index
    %get3A_18 = vector.load %arg0[%get3A_15, %get3A_16, %get3A_17] : memref<8x1024x16xf32, #tpu.memory_space<vmem>>, vector<1x1024x16xf32>
    %get3A_19 = vector.shape_cast %get3A_18 : vector<1x1024x16xf32> to vector<1024x16xf32>
    %add3A_20 = arith.addf %add3A_14, %get3A_19 : vector<1024x16xf32>
    %get3A_21 = arith.constant 4 : index
    %get3A_22 = arith.constant 0 : index
    %get3A_23 = arith.constant 0 : index
    %get3A_24 = vector.load %arg0[%get3A_21, %get3A_22, %get3A_23] : memref<8x1024x16xf32, #tpu.memory_space<vmem>>, vector<1x1024x16xf32>
    %get3A_25 = vector.shape_cast %get3A_24 : vector<1x1024x16xf32> to vector<1024x16xf32>
    %add3A_26 = arith.addf %add3A_20, %get3A_25 : vector<1024x16xf32>
    %get3A_27 = arith.constant 5 : index
    %get3A_28 = arith.constant 0 : index
    %get3A_29 = arith.constant 0 : index
    %get3A_30 = vector.load %arg0[%get3A_27, %get3A_28, %get3A_29] : memref<8x1024x16xf32, #tpu.memory_space<vmem>>, vector<1x1024x16xf32>
    %get3A_31 = vector.shape_cast %get3A_30 : vector<1x1024x16xf32> to vector<1024x16xf32>
    %add3A_32 = arith.addf %add3A_26, %get3A_31 : vector<1024x16xf32>
    %get3A_33 = arith.constant 6 : index
    %get3A_34 = arith.constant 0 : index
    %get3A_35 = arith.constant 0 : index
    %get3A_36 = vector.load %arg0[%get3A_33, %get3A_34, %get3A_35] : memref<8x1024x16xf32, #tpu.memory_space<vmem>>, vector<1x1024x16xf32>
    %get3A_37 = vector.shape_cast %get3A_36 : vector<1x1024x16xf32> to vector<1024x16xf32>
    %add3A_38 = arith.addf %add3A_32, %get3A_37 : vector<1024x16xf32>
    %get3A_39 = arith.constant 7 : index
    %get3A_40 = arith.constant 0 : index
    %get3A_41 = arith.constant 0 : index
    %get3A_42 = vector.load %arg0[%get3A_39, %get3A_40, %get3A_41] : memref<8x1024x16xf32, #tpu.memory_space<vmem>>, vector<1x1024x16xf32>
    %get3A_43 = vector.shape_cast %get3A_42 : vector<1x1024x16xf32> to vector<1024x16xf32>
    %add3A_44 = arith.addf %add3A_38, %get3A_43 : vector<1024x16xf32>
    %mul3A = arith.constant 1.250000e-01 : f32
    %mul3A_45 = vector.broadcast %mul3A : f32 to vector<1024x16xf32>
    %mul3A_46 = arith.mulf %add3A_44, %mul3A_45 : vector<1024x16xf32>
    %get3A_47 = arith.constant 0 : index
    %get3A_48 = arith.constant 0 : index
    %get3A_49 = vector.load %arg1[%get3A_47, %get3A_48] : memref<1024x16xf32, #tpu.memory_space<vmem>>, vector<1024x16xf32>
    %sub3A = arith.subf %mul3A_46, %get3A_49 : vector<1024x16xf32>
    %mul3A_50 = arith.mulf %sub3A, %sub3A : vector<1024x16xf32>
    %reduce_sum3A = vector.shape_cast %mul3A_50 : vector<1024x16xf32> to vector<1x1024x16xf32>
    %reduce_sum3A_51 = arith.constant dense<0.000000e+00> : vector<1xf32>
    %reduce_sum3A_52 = vector.multi_reduction <add>, %reduce_sum3A, %reduce_sum3A_51 [1, 2] : vector<1x1024x16xf32> to vector<1xf32>
    %reduce_sum3A_53 = vector.shape_cast %reduce_sum3A_52 : vector<1xf32> to vector<1x1x1xf32>
    %reduce_sum3A_54 = vector.extract %reduce_sum3A_53[0, 0, 0] : f32 from vector<1x1x1xf32>
    %broadcast_in_dim3A = vector.broadcast %reduce_sum3A_54 : f32 to vector<1x1xf32>
    %mul3A_55 = arith.constant 6.10351563E-5 : f32
    %mul3A_56 = vector.broadcast %mul3A_55 : f32 to vector<1x1xf32>
    %mul3A_57 = arith.mulf %broadcast_in_dim3A, %mul3A_56 : vector<1x1xf32>
    %swap3A = arith.constant 0 : index
    %swap3A_58 = arith.constant 0 : index
    %swap3A_59 = vector.load %arg2[%swap3A, %swap3A_58] : memref<1x1xf32, #tpu.memory_space<vmem>>, vector<1x1xf32>
    tpu.vector_store %arg2[%swap3A, %swap3A_58], %mul3A_57 {strides = array<i32>} : memref<1x1xf32, #tpu.memory_space<vmem>>, vector<1x1xf32>,
    return
  }
}

</mosaic_0001>

<sc_bundles>
// kernel: kernel.5.cloned.1.call-start
scs
__scs_entry_jumppad:
0x0: {  	(pc) =	sbr.rel $0x88, $3  }
0x1: {  	(tag) =	ssettag $0x0;
	lr =	simm.s32 $0x1  }
0x2: {  	[smem:$0x3F9F] =	sst lr;
	_ =	strace $0xD0000000  }
0x3: {  	_ = 	snop  }
0x4: {  	_ = 	snop  }
0x5: {  	_ = 	snop  }
0x6: {  	_ = 	snop  }
0x7: {  	_ = 	snop  }
__scs_overlays_trampoline_lowered:
0x8: {  	[smem:$0x3FAE] =	sst s0  }
0x9: {  	[smem:$0x3FAF] =	sst s1  }
0xa: {  	[smem:$0x3FB0] =	sst s2  }
0xb: {  	[smem:$0x3FB1] =	sst s3  }
0xc: {  	[smem:$0x3FB2] =	sst s4  }
0xd: {  	[smem:$0x3FB3] =	sst s5  }
0xe: {  	[smem:$0x3FB4] =	sst s6  }
0xf: {  	[smem:$0x3FB5] =	sst s7  }
0x10: {  	[smem:$0x3FB6] =	sst s8  }
0x11: {  	[smem:$0x3FB7] =	sst s9;
	s0 =	simm.s32 @!p0 $0x0  }
0x12: {  	s1 =	sld [smem:$0x3F9D];
	s0 =	simm.s32 @p0 $0x1  }
0x13: {  	[smem:$0x3FB8] =	sst s0;
	s0 =	simm.s32 @!p1 $0x0  }
0x14: {  	s2 =	sld [smem:$0x3F9C];
	s0 =	simm.s32 @p1 $0x1  }
0x15: {  	[smem:$0x3FB9] =	sst s0;
	s0 =	simm.s32 @!p2 $0x0  }
0x16: {  	s3 =	sld [smem:$0x3FDB];
	s0 =	simm.s32 @p2 $0x1  }
0x17: {  	s4 =	simm.s32 $0x1BF5;
	[smem:$0x3FBB] =	sst s0  }
0x18: {  	s0 =	sld [smem:$0x3F9E];
	_ =	swait.ge [sflag:s4], $0x0  }
0x19: {  	s7 =	sld [smem:$0x3F9F]  }
0x1a: {  	s8 =	sadd.s32 $0xFFFFE003, lr  }
0x1b: {  	s9 =	sadd.s32 $0xFFFFFEF7, lr;
	s5 =	simm.s32 $0xFFFFFFFF;
	p2 =	slt.u32 s8, $0xFFFFF086  }
0x1c: {  	p1 =	slt.u32 s9, $0xF7A;
	s5 =	simm.s32 @!p2 $0x0  }
0x1d: {  	s5 =	simm.s32 @p1 $0x1;
	p0 =	seq.s32 s7, s2  }
0x1e: {  	s7 =	smul.u32 @!p0 $0xF7A, s2;
	p2 =	seq.s32 @!p0 s5, $0x0  }
0x1f: {  	s9 =	smul.u32 $0xF7A, s1;
	s8 =	simm.s32 @!p0 $0x1BF5;
	p2 =	por !p2, p0  }
0x20: {  	[sflag:s8] =	ssyncset.s32 @!p0 $0xFFFFF086;
	s6 =	sadd.s32 @!p0 s3, s7;
	s7 =	simm.s32 @!p0 $0x108  }
0x21: {  	s3 =	sadd.s32 s3, s9;
	s6 =	sadd.s32 @!p0 $0x88, s6;
	s7 =	simm.s32 @p2 $0x1082  }
0x22: {  	[simem:s7], [sflag:s8] =	dma.local @!p0 [hbm:s6], $0xF7A  }
0x23: {  	s9 =	sor.u32 $0xD0000000, s2;
	s6 =	simm.s32 $0x108;
	_ =	swait.ge @!p0 [sflag:s8], $0x0  }
0x24: {  	s3 =	sadd.s32 $0x88, s3;
	s6 =	simm.s32 @!p1 $0x1082;
	[sflag:s4] =	ssyncset.s32 $0xFFFFF086  }
0x25: {  	[simem:s6], [sflag:s4] =	dma.local [hbm:s3], $0xF7A  }
0x26: {  	[smem:$0x3F9F] =	sst s1;
	(tag) =	ssettag s2;
	_ =	strace s9  }
0x27: {  	s1 =	sld [smem:$0x3FAF]  }
0x28: {  	s2 =	sld [smem:$0x3FB0]  }
0x29: {  	s4 =	sld [smem:$0x3FB2]  }
0x2a: {  	p0 =	seq.s32 s5, $0x0;
	s5 =	sld [smem:$0x3FB3]  }
0x2b: {  	s6 =	sld [smem:$0x3FB4]  }
0x2c: {  	s7 =	sld [smem:$0x3FB5]  }
0x2d: {  	s3 =	simm.s32 $0x108;
	s8 =	sld [smem:$0x3FB6]  }
0x2e: {  	s3 =	simm.s32 @!p0 $0x1082;
	s9 =	sld [smem:$0x3FB7]  }
0x2f: {  	lr =	sadd.s32 s0, s3;
	s0 =	sld [smem:$0x3FAE]  }
0x30: {  	s3 =	sld [smem:$0x3FB1]  }
0x31: {  	[smem:$0x3FBA] =	sst s10  }
0x32: {  	s10 =	sld [smem:$0x3FB8];
	_ =	sdelay $0x3  }
0x33: {  	p0 =	seq.s32 s10, $0x1;
	s10 =	sld [smem:$0x3FBA];
	_ =	sdelay $0x3  }
0x34: {  	[smem:$0x3FBA] =	sst s10  }
0x35: {  	s10 =	sld [smem:$0x3FB9];
	_ =	sdelay $0x3  }
0x36: {  	p1 =	seq.s32 s10, $0x1;
	s10 =	sld [smem:$0x3FBA];
	_ =	sdelay $0x3  }
0x37: {  	[smem:$0x3FBA] =	sst s10  }
0x38: {  	s10 =	sld [smem:$0x3FBB]  }
0x39: {  	_ = 	snop;
	(pc) =	sbr.ind lr, $3  }
0x3a: {  	_ = 	snop  }
0x3b: {  	_ = 	snop  }
0x3c: {  	p2 =	seq.s32 s10, $0x1;
	s10 =	sld [smem:$0x3FBA]  }
0x3d: {  	_ =	shalt  }
0x3e: {  	_ =	shalt  }
0x3f: {  	_ =	shalt  }
0x40: {  	_ =	shalt  }
0x41: {  	_ =	shalt  }
0x42: {  	_ =	shalt  }
0x43: {  	_ =	shalt  }
0x44: {  	_ =	shalt  }
0x45: {  	_ =	shalt  }
0x46: {  	_ =	shalt  }
0x47: {  	_ =	shalt  }
0x48: {  	_ =	shalt  }
0x49: {  	_ =	shalt  }
0x4a: {  	_ =	shalt  }
0x4b: {  	_ =	shalt  }
0x4c: {  	_ =	shalt  }
0x4d: {  	_ =	shalt  }
0x4e: {  	_ =	shalt  }
0x4f: {  	_ =	shalt  }
0x50: {  	_ =	shalt  }
0x51: {  	_ =	shalt  }
0x52: {  	_ =	shalt  }
0x53: {  	_ =	shalt  }
0x54: {  	_ =	shalt  }
0x55: {  	_ =	shalt  }
0x56: {  	_ =	shalt  }
0x57: {  	_ =	shalt  }
0x58: {  	_ =	shalt  }
0x59: {  	_ =	shalt  }
0x5a: {  	_ =	shalt  }
0x5b: {  	_ =	shalt  }
0x5c: {  	_ =	shalt  }
0x5d: {  	_ =	shalt  }
0x5e: {  	_ =	shalt  }
0x5f: {  	_ =	shalt  }
0x60: {  	_ =	shalt  }
0x61: {  	_ =	shalt  }
0x62: {  	_ =	shalt  }
0x63: {  	_ =	shalt  }
0x64: {  	_ =	shalt  }
0x65: {  	_ =	shalt  }
0x66: {  	_ =	shalt  }
0x67: {  	_ =	shalt  }
0x68: {  	_ =	shalt  }
0x69: {  	_ =	shalt  }
0x6a: {  	_ =	shalt  }
0x6b: {  	_ =	shalt  }
0x6c: {  	_ =	shalt  }
0x6d: {  	_ =	shalt  }
0x6e: {  	_ =	shalt  }
0x6f: {  	_ =	shalt  }
0x70: {  	_ =	shalt  }
0x71: {  	_ =	shalt  }
0x72: {  	_ =	shalt  }
0x73: {  	_ =	shalt  }
0x74: {  	_ =	shalt  }
0x75: {  	_ =	shalt  }
0x76: {  	_ =	shalt  }
0x77: {  	_ =	shalt  }
0x78: {  	_ =	shalt  }
0x79: {  	_ =	shalt  }
0x7a: {  	_ =	shalt  }
0x7b: {  	_ =	shalt  }
0x7c: {  	_ =	shalt  }
0x7d: {  	_ =	shalt  }
0x7e: {  	_ =	shalt  }
0x7f: {  	_ =	shalt  }
0x80: {  	_ =	shalt  }
0x81: {  	_ =	shalt  }
0x82: {  	_ =	shalt  }
0x83: {  	_ =	shalt  }
0x84: {  	_ =	shalt  }
0x85: {  	_ =	shalt  }
0x86: {  	_ =	shalt  }
0x87: {  	_ =	shalt  }
.Lfunc_end0:
.L_simem_size_0:
called_computation_lowered:
.L_overlay_start_0:
0x88: {  	s2 =	sld [smem:$0x3FD9]  }
0x89: {  	s3 =	sld [smem:$0x3FFE];
	_ =	sdelay $0x1  }
0x8a: {  	s1 =	srdreg.scid  }
0x8b: {  	s0 =	sand.u32 $0x1, s1  }
0x8c: {  	s16 =	sshll.u32 s0, $0xA;
	s2 =	sadd.s32 s3, s2  }
0x8d: {  	s2 =	sadd.s32 s2, s16  }
0x8e: {  	[smem:$0x3FC6] =	sst s2  }
0x8f: {  	_ = 	snop  }
0x90: {  	(tm) =	ssettm $0x1  }
0x91: {  	s17 =	sld [smem:$0x3FFB];
	_ =	sdelay $0x3  }
0x92: {  	_ =	strace s17  }
0x93: {  	s2 =	sld [smem:$0x3FFC];
	_ =	sdelay $0x3  }
0x94: {  	_ =	strace s2  }
0x95: {  	s2 =	sld [smem:$0x3FFD];
	_ =	sdelay $0x3  }
0x96: {  	_ =	strace s2  }
0x97: {  	_ =	strace $0x8FFFFFFF  }
0x98: {  	s18 =	sld [smem:$0x3FDB];
	_ =	sdelay $0x1  }
0x99: {  	s19 =	simm.s32 $_scs_section_size  }
0x9a: {  	s4 =	simm.s32 $_size__tile_overlayer_lowered;
	s5 =	simm.s32 $_tile_overlayer_lowered  }
0x9b: {  	s22 =	simm.s32 $0x1BFF;
	s21 =	sshll.u32 s5, $0x1;
	s2 =	sadd.s32 s19, s18  }
0x9c: {  	s6 =	simm.s32 $0x0;
	s20 =	sshll.u32 s4, $0x1;
	s4 =	sadd.s32 s21, s2  }
0x9d: {  	[timem:s6], [sflag:s22] =	dma.local [hbm:s4], s20  }
0x9e: {  	_ =	swait.ge [sflag:s22], s20  }
0x9f: {  	s3 =	ssub.s32 $0x0, s20;
	[sflag:s22] =	ssyncset.done $0x0  }
0xa0: {  	[sflag:s22] =	ssyncadd.s32 s3;
	_ =	sdelay $0x1  }
0xa1: {  	s23 =	simm.s32 $0x1B8B  }
0xa2: {  	_ =	swait.ge [sflag:s23], $0x1  }
0xa3: {  	[sflag:s23] =	ssyncset.done $0x0  }
0xa4: {  	s25 =	simm.s32 $0x1B8E;
	s24 =	sld [smem:$0x3FFE];
	[sflag:s23] =	ssyncadd.s32 $0xFFFFFFFF  }
0xa5: {  	s26 =	simm.s32 $execute0_lowered;
	[smem:$0x3FD2] =	sst s25  }
0xa6: {  	s4 =	sshll.u32 s26, $0x1;
	_ =	strace $0x80000046;
	[dreg:$0x1] =	wrdreg $0xFFFFFFFF  }
0xa7: {  	s28 =	simm.s32 $_size_execute0_lowered;
	s2 =	sadd.s32 s2, s4;
	[dreg:$0x0] =	wrdreg $0x0  }
0xa8: {  	s4 =	sshll.u32 s28, $0x1;
	[dreg:$0x2] =	wrdreg s2  }
0xa9: {  	[dreg:$0x3] =	wrdreg s4  }
0xaa: {  	[dreg:$0x4] =	wrdreg $0xC0  }
0xab: {  	_ =	task [dreg:s6], $0x5FFFF  }
0xac: {  	[dreg:$0x1] =	wrdreg $0xFFFFFFFF  }
0xad: {  	[dreg:$0x0] =	wrdreg $0x60  }
0xae: {  	[dreg:$0x2] =	wrdreg s24  }
0xaf: {  	[dreg:$0x3] =	wrdreg $0x9  }
0xb0: {  	_ =	task.clear_ibuf [dreg:s6], $0x4FFFF;
	_ =	strace $0x90000046  }
0xb1: {  	s29 =	simm.s32 $0x9;
	_ =	strace $0x80000048  }
0xb2: {  	_ =	swait.ge [sflag:s29], $0x1  }
0xb3: {  	[sflag:s29] =	ssyncadd.s32 $0xFFFFFFFF  }
0xb4: {  	_ =	strace $0x90000048  }
0xb5: {  	_ =	sfence  }
0xb6: {  	s30 =	sld [smem:$0x0];
	_ =	sdelay $0x2  }
0xb7: {  	s31 =	sshll.u32 s1, $0xD;
	s1 =	sshrl.u32 s1, $0x2  }
0xb8: {  	s3 =	sand.u32 $0x4000, s31;
	s1 =	sadd.s32 s1, s30  }
0xb9: {  	s0 =	sor.u32 s3, s0;
	s1 =	sshll.u32 s1, $0x11  }
0xba: {  	s0 =	sor.u32 s1, s0  }
0xbb: {  	s0 =	sadd.s32 $0x8F2B, s0  }
0xbc: {  	[sflag:s0] =	ssyncadd.remote.s32 $0x1  }
0xbd: {  	_ =	sfence.sel $0xFFFF  }
0xbe: {  	[dreg:$0x0] =	wrdreg $0xFFFFFFFF;
	(pc) =	sbr.abs _section_cstart, $3  }
0xbf: {  	[dreg:$0x1] =	wrdreg $0xFFFFFFFF  }
0xc0: {  	_ =	task.clear_ibuf [dreg:s6], $0x2FFFF;
	_ =	strace $0x9FFFFFFF  }
0xc1: {  	(tm) =	ssettm $0x7FFFFFFF  }
tec
execute0_lowered:
.L_overlay_start_1:
0x0: {  	(tag) =	ssettag $0x1  }
0x1: {  	s1 =	srdreg.scid  }
0x2: {  	s0 =	stileid.u32;
	s5 =	rddreg [dreg:$0x0];
	s6 =	sand.u32 $0x1, s1  }
0x3: {  	s2 =	simm.s32 $0x0;
	s3 =	sshll.u32 s0, $0xA;
	s4 =	sshll.u32 s6, $0x9  }
0x4: {  	[smem:$0x7FF] =	sst s2;
	s3 =	sor.u32 s4, s3  }
0x5: {  	s1 =	rddreg [dreg:$0x1];
	_ =	strace $0x80000047;
	s8 =	sadd.s32 s3, s5  }
0x6: {  	s9 =	ssub.s32 $0x2, s6;
	s3 =	simm.s32 $0x2;
	s4 =	sadd.s32 $0x600, s8  }
0x7: {  	[tilespmem:s2], [sflag:$0x2] =	stream.linear.gather [hbm4b:s4+s2], $0x1000, $0x38;
	[tilespmem:$0x2000] =	vst v63  }
0x8: {  	s7 =	simm.s32 $0x1;
	s10 =	sshrl.u32 s9, $0x1;
	_ =	swait.ge [sflag:s3], $0x1000  }
0x9: {  	s6 =	simm.s32 $0x1000;
	s9 =	ssub.s32 s9, s10;
	[sflag:s3] =	ssyncset.done $0x0  }
0xa: {  	s5 =	sadd.s32 $0x187000, s5;
	s9 =	smax.u32 s9, $0x1;
	[sflag:s3] =	ssyncadd.s32 $0xFFFFF000  }
0xb: {  	[tilespmem:s6], [sflag:$0x1] =	stream.indirect.gather [hbm4b:s5+s6], $0x1, s2, s6, $0xb8;
	[tilespmem:$0x2000] =	vst v63  }
0xc: {  	p0 =	sne.s32 s9, $0x1;
	_ =	swait.ge [sflag:s7], $0x1000  }
.Ltmp0:
0xd: {  	[sflag:s7] =	ssyncset.done $0x0;
	(pc) =	sbr.rel @!p0 .LBB2_2-.Ltmp0, $4  }
0xe: {  	s8 =	sadd.s32 $0x4600, s8;
	[sflag:s7] =	ssyncadd.s32 $0xFFFFF000  }
0xf: {  	[hbm4b:s8+s2] =	stream.linear.scatter [tilespmem:s6], [sflag:$0x2], $0x1000, $0x38;
	[tilespmem:$0x2000] =	vst v63  }
0x10: {  	_ =	swait.ge [sflag:s3], $0x1000  }
0x11: {  	s9 =	sadd.s32 $0xFFFFFFFF, s9;
	[sflag:s3] =	ssyncset.done $0x0  }
.LBB2_1:
0x12: {  	p0 =	sne.s32 s9, $0x1;
	s9 =	sadd.s32 $0xFFFFFFFF, s9;
	[sflag:s3] =	ssyncadd.s32 $0xFFFFF000  }
0x13: {  	[tilespmem:s2], [sflag:$0x2] =	stream.linear.gather [hbm4b:s4+s2], $0x1000, $0x38;
	[tilespmem:$0x2000] =	vst v63  }
0x14: {  	_ =	swait.ge [sflag:s3], $0x1000  }
0x15: {  	[sflag:s3] =	ssyncset.done $0x0  }
0x16: {  	[sflag:s3] =	ssyncadd.s32 $0xFFFFF000  }
0x17: {  	[tilespmem:s6], [sflag:$0x1] =	stream.indirect.gather [hbm4b:s5+s6], $0x1, s2, s6, $0xb8;
	[tilespmem:$0x2000] =	vst v63  }
0x18: {  	_ =	swait.ge [sflag:s7], $0x1000  }
.Ltmp1:
0x19: {  	[sflag:s7] =	ssyncset.done $0x0;
	(pc) =	sbr.rel @p0 .LBB2_1-.Ltmp1, $4  }
0x1a: {  	[sflag:s7] =	ssyncadd.s32 $0xFFFFF000  }
0x1b: {  	[hbm4b:s8+s2] =	stream.linear.scatter [tilespmem:s6], [sflag:$0x2], $0x1000, $0x38;
	[tilespmem:$0x2000] =	vst v63  }
0x1c: {  	_ =	swait.ge [sflag:s3], $0x1000  }
0x1d: {  	[sflag:s3] =	ssyncset.done $0x0  }
.LBB2_2:
0x1e: {  	[sflag:s3] =	ssyncadd.s32 $0xFFFFF000  }
0x1f: {  	_ =	sfence.sel $0x180000  }
0x20: {  	[bflag:$0x0] =	sbarrier.arrive $0xFFFF  }
0x21: {  	p0 =	sne.s32 s0, $0x0;
	_ =	strace $0x90000047  }
0x22: {  	s0 =	sadd.s32 @!p0 $0x100000, s1;
	[bflag:$0x2] =	sbarrier.arrive $0xFFFF  }
0x23: {  	[sflag:s0] =	ssyncadd.tile.s32 @!p0 $0x1;
	_ =	shalt  }
.Lfunc_end2:
_tile_overlayer_lowered:
.L_overlay_start_2:
0x24: {  	(tag) =	ssettag $0x2  }
0x25: {  	s0 =	rddreg [dreg:$0x0];
	s2 =	stileid.u32  }
0x26: {  	s1 =	rddreg [dreg:$0x1];
	p0 =	sne.s32 s2, $0x0  }
0x27: {  	s3 =	rddreg [dreg:$0x2];
	[bflag:$0x3] =	sbarrier.arrive $0xFFFF;
	s2 =	simm.s32 @!p0 $0x1C02  }
0x28: {  	[timem:s3], [sflag:s2] =	dma.local @!p0 [hbm:s0], s1  }
0x29: {  	s0 =	simm.s32 @!p0 $0x2  }
0x2a: {  	_ =	swait.ge @!p0 [sflag:s0], s1  }
0x2b: {  	s1 =	ssub.s32 @!p0 $0x0, s1;
	[sflag:s0] =	ssyncset.done @!p0 $0x0  }
0x2c: {  	[sflag:s0] =	ssyncadd.s32 @!p0 s1  }
0x2d: {  	[bflag:$0x3] =	sbarrier.arrive $0xFFFF  }
0x2e: {  	_ =	shalt  }

</sc_bundles>
